<compile_context>
chip_gen: v7x
topology: tpu7x:2x2x1
jax: 0.10.2.dev20260603
libtpu: 0.0.44.dev20260713+nightly
codegen_flags: <defaults>
</compile_context>

<pallas_src>
import functools

import jax
import jax.numpy as jnp
from jax import lax
from jax.experimental import pallas as pl
from jax.experimental.pallas import tpu as pltpu
from jax.experimental.pallas import tpu_sc as plsc

_GRID = 7
_NCELL = _GRID * _GRID
_NCH = 30
_NCLS = 20
_STRIDE = 64.0
_IOU_T = 0.5
_L = 16
_NCHUNK = 4

_X1, _Y1, _X2, _Y2, _AREA, _CX, _CY, _W, _H, _CONF, _CLS, _KEEP = (
    i * _NCHUNK * _L for i in range(12))

_GDN = lax.GatherDimensionNumbers(
    offset_dims=(), collapsed_slice_dims=(0,), start_index_map=(0,))


def _sig(v):
    return 1.0 / (1.0 + jnp.exp(-v))


def _perm(v, idx):
    return lax.gather(v, idx.reshape(_L, 1), _GDN, (1,),
                      mode=lax.GatherScatterMode.PROMISE_IN_BOUNDS)


def _xlane_max(v, lane):
    for s in (1, 2, 4, 8):
        v = jnp.maximum(v, _perm(v, lane ^ s))
    return v


def _yolo_body(x_hbm, out_hbm, xv, br, outv):
    @pl.when((lax.axis_index("c") == 0) & (lax.axis_index("s") == 0))
    def _():
        pltpu.sync_copy(x_hbm, xv)

        lane = lax.iota(jnp.int32, _L)
        zeros = jnp.zeros((_L,), jnp.float32)
        zeroi = jnp.zeros((_L,), jnp.int32)
        ones = jnp.ones((_L,), jnp.float32)
        lane0 = lane == 0

        def gather_ch(idxv, c):
            return plsc.load_gather(
                xv, [zeroi, idxv * _NCH + c], mask=idxv < _NCELL)

        def cls_step(c, carry):
            mvs, cls_ = carry
            cf = c.astype(jnp.float32)
            out_mv, out_cl = [], []
            for j in range(_NCHUNK):
                v = _sig(gather_ch(lane + _L * j, c))
                out_cl.append(jnp.where(v > mvs[j], cf, cls_[j]))
                out_mv.append(jnp.maximum(mvs[j], v))
            return (tuple(out_mv), tuple(out_cl))

        mv0 = tuple(_sig(gather_ch(lane + _L * j, 0)) for j in range(_NCHUNK))
        _, clsv = lax.fori_loop(1, _NCLS, cls_step, (mv0, (zeros,) * _NCHUNK))
        for j in range(_NCHUNK):
            br[pl.ds(_CLS + _L * j, _L)] = clsv[j]

        def decode_step(j, carry):
            idxv = lane + j * _L
            ch = lambda c: gather_ch(idxv, c)
            c0 = _sig(ch(_NCLS))
            c1 = _sig(ch(_NCLS + 5))
            sel = c0 >= c1
            conf = jnp.where(sel, c0, c1)
            bx = _sig(jnp.where(sel, ch(_NCLS + 1), ch(_NCLS + 6)))
            by = _sig(jnp.where(sel, ch(_NCLS + 2), ch(_NCLS + 7)))
            bw = _sig(jnp.where(sel, ch(_NCLS + 3), ch(_NCLS + 8)))
            bh = _sig(jnp.where(sel, ch(_NCLS + 4), ch(_NCLS + 9)))
            gx = (idxv % _GRID).astype(jnp.float32)
            gy = (idxv // _GRID).astype(jnp.float32)
            cx = (bx + gx) * _STRIDE
            cy = (by + gy) * _STRIDE
            w = (bw * float(_GRID)) * _STRIDE
            h = (bh * float(_GRID)) * _STRIDE
            x1 = cx - w / 2.0
            y1 = cy - h / 2.0
            x2 = cx + w / 2.0
            y2 = cy + h / 2.0
            off = j * _L
            br[pl.ds(_X1 + off, _L)] = x1
            br[pl.ds(_Y1 + off, _L)] = y1
            br[pl.ds(_X2 + off, _L)] = x2
            br[pl.ds(_Y2 + off, _L)] = y2
            br[pl.ds(_AREA + off, _L)] = (x2 - x1) * (y2 - y1)
            br[pl.ds(_CX + off, _L)] = cx
            br[pl.ds(_CY + off, _L)] = cy
            br[pl.ds(_W + off, _L)] = w
            br[pl.ds(_H + off, _L)] = h
            br[pl.ds(_CONF + off, _L)] = conf
            br[pl.ds(_KEEP + off, _L)] = zeros
            return carry

        lax.fori_loop(0, _NCHUNK, decode_step, jnp.int32(0))

        half_bits = jnp.int32(0x3F000000)
        x1v, y1v, x2v, y2v, areav, keyv = [], [], [], [], [], []
        for j in range(_NCHUNK):
            off = j * _L
            idxv = lane + off
            x1v.append(br[pl.ds(_X1 + off, _L)])
            y1v.append(br[pl.ds(_Y1 + off, _L)])
            x2v.append(br[pl.ds(_X2 + off, _L)])
            y2v.append(br[pl.ds(_Y2 + off, _L)])
            areav.append(br[pl.ds(_AREA + off, _L)])
            conf = br[pl.ds(_CONF + off, _L)]
            bits = jnp.maximum(
                lax.bitcast_convert_type(conf, jnp.int32) - half_bits, -1)
            key = (bits << 6) | (63 - idxv)
            keyv.append(jnp.where(idxv < _NCELL, key, -1))

        def _maxk(ks):
            mk = jnp.maximum(jnp.maximum(ks[0], ks[1]),
                             jnp.maximum(ks[2], ks[3]))
            return _xlane_max(mk, lane)

        def nms_cond(carry):
            return carry[0][0] >= 64

        def nms_step(carry):
            mxk, ks = carry[0], carry[1:]
            candv = 63 - (mxk & 63)
            plsc.store_scatter(br, [candv + _KEEP], ones, mask=lane0)
            bx1 = plsc.load_gather(br, [candv])
            by1 = plsc.load_gather(br, [candv + _Y1])
            bx2 = plsc.load_gather(br, [candv + _X2])
            by2 = plsc.load_gather(br, [candv + _Y2])
            ba = plsc.load_gather(br, [candv + _AREA])
            out = []
            for j in range(_NCHUNK):
                ix1 = jnp.maximum(x1v[j], bx1)
                iy1 = jnp.maximum(y1v[j], by1)
                ix2 = jnp.minimum(x2v[j], bx2)
                iy2 = jnp.minimum(y2v[j], by2)
                inter = jnp.maximum(ix2 - ix1, 0.0) * jnp.maximum(iy2 - iy1, 0.0)
                iou = inter / (areav[j] + ba - inter + 1e-9)
                gone = (iou > _IOU_T) | (ks[j] == mxk)
                out.append(jnp.where(gone, -1, ks[j]))
            return (_maxk(out), *out)

        lax.while_loop(nms_cond, nms_step, (_maxk(keyv), *keyv))

        def out_step(j, carry):
            off = j * _L
            idxv = lane + off
            inb = idxv < _NCELL
            kp = br[pl.ds(_KEEP + off, _L)]
            for col, fo in enumerate((_CX, _CY, _W, _H, _CONF, _CLS)):
                colv = jnp.full((_L,), col, jnp.int32)
                plsc.store_scatter(outv, [idxv, colv],
                                   br[pl.ds(fo + off, _L)] * kp, mask=inb)
            return carry

        lax.fori_loop(0, _NCHUNK, out_step, jnp.int32(0))

        pltpu.sync_copy(outv, out_hbm)


_yolo_sc = functools.partial(
    pl.kernel,
    out_type=jax.ShapeDtypeStruct((_NCELL, 6), jnp.float32),
    mesh=plsc.VectorSubcoreMesh(core_axis_name="c", subcore_axis_name="s",
                                num_cores=1, num_subcores=1),
    compiler_params=pltpu.CompilerParams(needs_layout_passes=False,
                                         skip_device_barrier=True,
                                         disable_bounds_checks=True),
    scratch_types=[
        pltpu.VMEM((1, _NCELL * _NCH), jnp.float32),
        pltpu.VMEM((12 * _NCHUNK * _L,), jnp.float32),
        pltpu.VMEM((_NCELL, 6), jnp.float32),
    ],
)(_yolo_body)


@jax.jit
def kernel(x):
    return _yolo_sc(x)

# --- scband reference (transcript-rebuilt; emitter-appended) ---
"""Pipeline reference for scband-decode-yolo-v1-22694607192620 (READ-ONLY COPY).

The authoritative reference and input builder live on the scoring server;
editing this copy changes nothing except your own understanding.
"""

import jax, jax.numpy as jnp
import numpy as np

NUM_CLASSES = 20
NUM_BOXES = 2
INPUT_SIZE = 448
CONF_THRESHOLD = 0.5
IOU_THRESHOLD = 0.5
GRID = 7


def setup_inputs(seed: int = 0) -> dict:
    key = jax.random.key(seed)
    x = jax.random.normal(key, (1, GRID * GRID * (NUM_BOXES * 5 + NUM_CLASSES)), dtype=jnp.float32)
    return {"x": x}


def _decode_predictions(x, num_classes, num_boxes, input_size):
    pred = jax.nn.sigmoid(x.reshape(-1, GRID, GRID, num_boxes * 5 + num_classes))
    B, H, W, _ = pred.shape
    stride_h = input_size / H
    stride_w = input_size / W
    stride = jnp.array([stride_w, stride_h, stride_w, stride_h], dtype=jnp.float32)
    confs = jnp.stack([pred[..., num_classes + 5 * i:num_classes + 5 * i + 1] for i in range(num_boxes)])
    best_conf_idx = jnp.argmax(confs, axis=0)
    one_hot = jax.nn.one_hot(best_conf_idx, num_boxes, dtype=pred.dtype).reshape(-1, H, W, num_boxes)
    pbox = sum(one_hot[..., i:i + 1] * pred[..., num_classes + 1 + 5 * i:num_classes + 5 + 5 * i] for i in range(num_boxes))
    pconf = sum(one_hot[..., i:i + 1] * pred[..., num_classes + 5 * i:num_classes + 5 * i + 1] for i in range(num_boxes))
    gx = jnp.broadcast_to(jnp.arange(W, dtype=jnp.float32).reshape(1, 1, W, 1), (B, H, W, 1))
    gy = jnp.broadcast_to(jnp.arange(H, dtype=jnp.float32).reshape(1, H, 1, 1), (B, H, W, 1))
    grid_xy = jnp.concatenate([gx, gy], axis=-1)
    xy = pbox[..., 0:2] + grid_xy
    w = pbox[..., 2:3] * W
    h = pbox[..., 3:4] * H
    pbox = jnp.concatenate([xy, w, h], axis=-1) * stride
    pcls = jnp.argmax(pred[..., :num_classes], axis=-1, keepdims=True).astype(jnp.float32)
    return jnp.concatenate([pbox, pconf, pcls], axis=-1).reshape(-1, H * W, 6)


def _pairwise_iou(b):
    x1 = b[:, 0] - b[:, 2] / 2.0
    y1 = b[:, 1] - b[:, 3] / 2.0
    x2 = b[:, 0] + b[:, 2] / 2.0
    y2 = b[:, 1] + b[:, 3] / 2.0
    area = (x2 - x1) * (y2 - y1)
    ix1 = jnp.maximum(x1[:, None], x1[None, :])
    iy1 = jnp.maximum(y1[:, None], y1[None, :])
    ix2 = jnp.minimum(x2[:, None], x2[None, :])
    iy2 = jnp.minimum(y2[:, None], y2[None, :])
    inter = jnp.clip(ix2 - ix1, 0.0) * jnp.clip(iy2 - iy1, 0.0)
    return inter / (area[:, None] + area[None, :] - inter + 1e-9)


def _nms(dets, conf_threshold, iou_threshold):
    # dets: (N, 6) [cx, cy, w, h, conf, cls]; greedy class-agnostic NMS.
    N = dets.shape[0]
    conf = dets[:, 4]
    order = jnp.argsort(-conf)
    b = dets[order, 0:4]
    c = conf[order]
    ious = _pairwise_iou(b)
    valid = c > conf_threshold
    idx = jnp.arange(N)
    supp = jnp.zeros((N,), dtype=bool)
    keep_list = []
    for i in range(N):
        k = valid[i] & (~supp[i])
        supp = supp | (k & (ious[i] > iou_threshold) & (idx > i))
        keep_list.append(k)
    keep_sorted = jnp.stack(keep_list)
    keep = jnp.zeros((N,), dtype=bool).at[order].set(keep_sorted)
    return dets * keep.astype(dets.dtype)[:, None]


def reference(x):
    decode_pred = _decode_predictions(x, NUM_CLASSES, NUM_BOXES, INPUT_SIZE)
    boxes = _nms(decode_pred[0], CONF_THRESHOLD, IOU_THRESHOLD)
    return boxes

if __name__ == "__main__":
    import jax
    _d = setup_inputs()
    print(jax.jit(kernel)(*tuple(_d.values())))

</pallas_src>

<mosaic_0001>
#map = affine_map<(d0, d1) -> (0, 0)>
module attributes {stable_mosaic.version = 14 : i64} {
  func.func @_yolo_body(%arg0: i32, %arg1: i32, %arg2: memref<1x1470xf32, #tpu.memory_space<hbm>>, %arg3: memref<49x6xf32, #tpu.memory_space<hbm>>, %arg4: memref<1x1470xf32, #tpu.memory_space<vmem>>, %arg5: memref<768xf32, #tpu.memory_space<vmem>>, %arg6: memref<49x6xf32, #tpu.memory_space<vmem>>) attributes {dimension_semantics = [#tpu.dimension_semantics<core_parallel>, #tpu.dimension_semantics<subcore_parallel>], iteration_bounds = array<i64: 1, 1>, scalar_prefetch = 0 : i64, scratch_operands = 3 : i64, tpu.core_type = #tpu.core_type<sc_vector_subcore>, window_params = [{transform_indices = #map}, {transform_indices = #map}]} {
    %eq3A = arith.constant 0 : i32
    %eq3A_0 = arith.cmpi eq, %arg0, %eq3A : i32
    %eq3A_1 = arith.constant 0 : i32
    %eq3A_2 = arith.cmpi eq, %arg1, %eq3A_1 : i32
    %and3A = arith.andi %eq3A_0, %eq3A_2 : i1
    %convert_element_type3A = arith.extui %and3A : i1 to i32
    %cond3A = arith.constant 0 : i32
    %cond3A_3 = arith.cmpi ne, %convert_element_type3A, %cond3A : i32
    scf.if %cond3A_3 {
      "tpu.region"() ({
        %run_scoped3A = tpu.sem_alloc : memref<!tpu.dma_semaphore, #tpu.memory_space<semaphore_mem>>
        tpu.enqueue_dma source(%arg2 : memref<1x1470xf32, #tpu.memory_space<hbm>>) target(%arg4 : memref<1x1470xf32, #tpu.memory_space<vmem>>) target_semaphore(%run_scoped3A : memref<!tpu.dma_semaphore, #tpu.memory_space<semaphore_mem>>)
        tpu.wait_dma2 semaphore(%run_scoped3A : memref<!tpu.dma_semaphore, #tpu.memory_space<semaphore_mem>>) src(%arg2 : memref<1x1470xf32, #tpu.memory_space<hbm>>) dst(%arg4 : memref<1x1470xf32, #tpu.memory_space<vmem>>)
        tpu.yield
      }) : () -> ()
      %iota3A = tpu.iota {dimensions = array<i32: 0>} : vector<16xi32>
      %broadcast_in_dim3A = arith.constant 0.000000e+00 : f32
      %broadcast_in_dim3A_4 = vector.broadcast %broadcast_in_dim3A : f32 to vector<16xf32>
      %broadcast_in_dim3A_5 = arith.constant 0 : i32
      %broadcast_in_dim3A_6 = vector.broadcast %broadcast_in_dim3A_5 : i32 to vector<16xi32>
      %broadcast_in_dim3A_7 = arith.constant 1.000000e+00 : f32
      %broadcast_in_dim3A_8 = vector.broadcast %broadcast_in_dim3A_7 : f32 to vector<16xf32>
      %eq3A_9 = arith.constant 0 : i32
      %eq3A_10 = vector.broadcast %eq3A_9 : i32 to vector<16xi32>
      %eq3A_11 = arith.cmpi eq, %iota3A, %eq3A_10 : vector<16xi32>
      %add3A = arith.constant 0 : i32
      %add3A_12 = vector.broadcast %add3A : i32 to vector<16xi32>
      %add3A_13 = arith.addi %iota3A, %add3A_12 : vector<16xi32>
      %mul3A = arith.constant 30 : i32
      %mul3A_14 = vector.broadcast %mul3A : i32 to vector<16xi32>
      %mul3A_15 = arith.muli %add3A_13, %mul3A_14 : vector<16xi32>
      %add3A_16 = arith.constant 0 : i32
      %add3A_17 = vector.broadcast %add3A_16 : i32 to vector<16xi32>
      %add3A_18 = arith.addi %mul3A_15, %add3A_17 : vector<16xi32>
      %lt3A = arith.constant 49 : i32
      %lt3A_19 = vector.broadcast %lt3A : i32 to vector<16xi32>
      %lt3A_20 = arith.cmpi slt, %add3A_13, %lt3A_19 : vector<16xi32>
      %gather3A = tpu.vector_load_idx %arg4[%broadcast_in_dim3A_6, %add3A_18] masked %lt3A_20 : memref<1x1470xf32, #tpu.memory_space<vmem>>[vector<16xi32>, vector<16xi32>], vector<16xf32>, vector<16xi1>
      %neg3A = arith.constant 0.000000e+00 : f32
      %neg3A_21 = vector.broadcast %neg3A : f32 to vector<16xf32>
      %neg3A_22 = arith.subf %neg3A_21, %gather3A : vector<16xf32>
      %exp3A = math.exp %neg3A_22 : vector<16xf32>
      %add3A_23 = arith.constant 1.000000e+00 : f32
      %add3A_24 = vector.broadcast %add3A_23 : f32 to vector<16xf32>
      %add3A_25 = arith.addf %add3A_24, %exp3A : vector<16xf32>
      %div3A = arith.constant 1.000000e+00 : f32
      %div3A_26 = vector.broadcast %div3A : f32 to vector<16xf32>
      %div3A_27 = arith.divf %div3A_26, %add3A_25 : vector<16xf32>
      %add3A_28 = arith.constant 16 : i32
      %add3A_29 = vector.broadcast %add3A_28 : i32 to vector<16xi32>
      %add3A_30 = arith.addi %iota3A, %add3A_29 : vector<16xi32>
      %mul3A_31 = arith.constant 30 : i32
      %mul3A_32 = vector.broadcast %mul3A_31 : i32 to vector<16xi32>
      %mul3A_33 = arith.muli %add3A_30, %mul3A_32 : vector<16xi32>
      %add3A_34 = arith.constant 0 : i32
      %add3A_35 = vector.broadcast %add3A_34 : i32 to vector<16xi32>
      %add3A_36 = arith.addi %mul3A_33, %add3A_35 : vector<16xi32>
      %lt3A_37 = arith.constant 49 : i32
      %lt3A_38 = vector.broadcast %lt3A_37 : i32 to vector<16xi32>
      %lt3A_39 = arith.cmpi slt, %add3A_30, %lt3A_38 : vector<16xi32>
      %gather3A_40 = tpu.vector_load_idx %arg4[%broadcast_in_dim3A_6, %add3A_36] masked %lt3A_39 : memref<1x1470xf32, #tpu.memory_space<vmem>>[vector<16xi32>, vector<16xi32>], vector<16xf32>, vector<16xi1>
      %neg3A_41 = arith.constant 0.000000e+00 : f32
      %neg3A_42 = vector.broadcast %neg3A_41 : f32 to vector<16xf32>
      %neg3A_43 = arith.subf %neg3A_42, %gather3A_40 : vector<16xf32>
      %exp3A_44 = math.exp %neg3A_43 : vector<16xf32>
      %add3A_45 = arith.constant 1.000000e+00 : f32
      %add3A_46 = vector.broadcast %add3A_45 : f32 to vector<16xf32>
      %add3A_47 = arith.addf %add3A_46, %exp3A_44 : vector<16xf32>
      %div3A_48 = arith.constant 1.000000e+00 : f32
      %div3A_49 = vector.broadcast %div3A_48 : f32 to vector<16xf32>
      %div3A_50 = arith.divf %div3A_49, %add3A_47 : vector<16xf32>
      %add3A_51 = arith.constant 32 : i32
      %add3A_52 = vector.broadcast %add3A_51 : i32 to vector<16xi32>
      %add3A_53 = arith.addi %iota3A, %add3A_52 : vector<16xi32>
      %mul3A_54 = arith.constant 30 : i32
      %mul3A_55 = vector.broadcast %mul3A_54 : i32 to vector<16xi32>
      %mul3A_56 = arith.muli %add3A_53, %mul3A_55 : vector<16xi32>
      %add3A_57 = arith.constant 0 : i32
      %add3A_58 = vector.broadcast %add3A_57 : i32 to vector<16xi32>
      %add3A_59 = arith.addi %mul3A_56, %add3A_58 : vector<16xi32>
      %lt3A_60 = arith.constant 49 : i32
      %lt3A_61 = vector.broadcast %lt3A_60 : i32 to vector<16xi32>
      %lt3A_62 = arith.cmpi slt, %add3A_53, %lt3A_61 : vector<16xi32>
      %gather3A_63 = tpu.vector_load_idx %arg4[%broadcast_in_dim3A_6, %add3A_59] masked %lt3A_62 : memref<1x1470xf32, #tpu.memory_space<vmem>>[vector<16xi32>, vector<16xi32>], vector<16xf32>, vector<16xi1>
      %neg3A_64 = arith.constant 0.000000e+00 : f32
      %neg3A_65 = vector.broadcast %neg3A_64 : f32 to vector<16xf32>
      %neg3A_66 = arith.subf %neg3A_65, %gather3A_63 : vector<16xf32>
      %exp3A_67 = math.exp %neg3A_66 : vector<16xf32>
      %add3A_68 = arith.constant 1.000000e+00 : f32
      %add3A_69 = vector.broadcast %add3A_68 : f32 to vector<16xf32>
      %add3A_70 = arith.addf %add3A_69, %exp3A_67 : vector<16xf32>
      %div3A_71 = arith.constant 1.000000e+00 : f32
      %div3A_72 = vector.broadcast %div3A_71 : f32 to vector<16xf32>
      %div3A_73 = arith.divf %div3A_72, %add3A_70 : vector<16xf32>
      %add3A_74 = arith.constant 48 : i32
      %add3A_75 = vector.broadcast %add3A_74 : i32 to vector<16xi32>
      %add3A_76 = arith.addi %iota3A, %add3A_75 : vector<16xi32>
      %mul3A_77 = arith.constant 30 : i32
      %mul3A_78 = vector.broadcast %mul3A_77 : i32 to vector<16xi32>
      %mul3A_79 = arith.muli %add3A_76, %mul3A_78 : vector<16xi32>
      %add3A_80 = arith.constant 0 : i32
      %add3A_81 = vector.broadcast %add3A_80 : i32 to vector<16xi32>
      %add3A_82 = arith.addi %mul3A_79, %add3A_81 : vector<16xi32>
      %lt3A_83 = arith.constant 49 : i32
      %lt3A_84 = vector.broadcast %lt3A_83 : i32 to vector<16xi32>
      %lt3A_85 = arith.cmpi slt, %add3A_76, %lt3A_84 : vector<16xi32>
      %gather3A_86 = tpu.vector_load_idx %arg4[%broadcast_in_dim3A_6, %add3A_82] masked %lt3A_85 : memref<1x1470xf32, #tpu.memory_space<vmem>>[vector<16xi32>, vector<16xi32>], vector<16xf32>, vector<16xi1>
      %neg3A_87 = arith.constant 0.000000e+00 : f32
      %neg3A_88 = vector.broadcast %neg3A_87 : f32 to vector<16xf32>
      %neg3A_89 = arith.subf %neg3A_88, %gather3A_86 : vector<16xf32>
      %exp3A_90 = math.exp %neg3A_89 : vector<16xf32>
      %add3A_91 = arith.constant 1.000000e+00 : f32
      %add3A_92 = vector.broadcast %add3A_91 : f32 to vector<16xf32>
      %add3A_93 = arith.addf %add3A_92, %exp3A_90 : vector<16xf32>
      %div3A_94 = arith.constant 1.000000e+00 : f32
      %div3A_95 = vector.broadcast %div3A_94 : f32 to vector<16xf32>
      %div3A_96 = arith.divf %div3A_95, %add3A_93 : vector<16xf32>
      %scan3A = arith.constant 1 : i32
      %scan3A_97 = arith.constant 19 : i32
      %scan3A_98 = arith.addi %scan3A, %scan3A_97 : i32
      %scan3A_99 = arith.constant 1 : i32
      %scan3A_100:8 = scf.for %scan3A_282 = %scan3A to %scan3A_98 step %scan3A_99 iter_args(%scan3A_283 = %div3A_27, %scan3A_284 = %div3A_50, %scan3A_285 = %div3A_73, %scan3A_286 = %div3A_96, %scan3A_287 = %broadcast_in_dim3A_4, %scan3A_288 = %broadcast_in_dim3A_4, %scan3A_289 = %broadcast_in_dim3A_4, %scan3A_290 = %broadcast_in_dim3A_4) -> (vector<16xf32>, vector<16xf32>, vector<16xf32>, vector<16xf32>, vector<16xf32>, vector<16xf32>, vector<16xf32>, vector<16xf32>)  : i32 {
        %convert_element_type3A_291 = arith.sitofp %scan3A_282 : i32 to f32
        %add3A_292 = arith.constant 0 : i32
        %add3A_293 = vector.broadcast %add3A_292 : i32 to vector<16xi32>
        %add3A_294 = arith.addi %iota3A, %add3A_293 : vector<16xi32>
        %mul3A_295 = arith.constant 30 : i32
        %mul3A_296 = vector.broadcast %mul3A_295 : i32 to vector<16xi32>
        %mul3A_297 = arith.muli %add3A_294, %mul3A_296 : vector<16xi32>
        %add3A_298 = vector.broadcast %scan3A_282 : i32 to vector<16xi32>
        %add3A_299 = arith.addi %mul3A_297, %add3A_298 : vector<16xi32>
        %lt3A_300 = arith.constant 49 : i32
        %lt3A_301 = vector.broadcast %lt3A_300 : i32 to vector<16xi32>
        %lt3A_302 = arith.cmpi slt, %add3A_294, %lt3A_301 : vector<16xi32>
        %gather3A_303 = tpu.vector_load_idx %arg4[%broadcast_in_dim3A_6, %add3A_299] masked %lt3A_302 : memref<1x1470xf32, #tpu.memory_space<vmem>>[vector<16xi32>, vector<16xi32>], vector<16xf32>, vector<16xi1>
        %neg3A_304 = arith.constant 0.000000e+00 : f32
        %neg3A_305 = vector.broadcast %neg3A_304 : f32 to vector<16xf32>
        %neg3A_306 = arith.subf %neg3A_305, %gather3A_303 : vector<16xf32>
        %exp3A_307 = math.exp %neg3A_306 : vector<16xf32>
        %add3A_308 = arith.constant 1.000000e+00 : f32
        %add3A_309 = vector.broadcast %add3A_308 : f32 to vector<16xf32>
        %add3A_310 = arith.addf %add3A_309, %exp3A_307 : vector<16xf32>
        %div3A_311 = arith.constant 1.000000e+00 : f32
        %div3A_312 = vector.broadcast %div3A_311 : f32 to vector<16xf32>
        %div3A_313 = arith.divf %div3A_312, %add3A_310 : vector<16xf32>
        %gt3A = arith.cmpf ogt, %div3A_313, %scan3A_283 : vector<16xf32>
        %broadcast_in_dim3A_314 = vector.broadcast %convert_element_type3A_291 : f32 to vector<16xf32>
        %select_n3A_315 = arith.select %gt3A, %broadcast_in_dim3A_314, %scan3A_287 : vector<16xi1>, vector<16xf32>
        %max3A_316 = arith.maximumf %scan3A_283, %div3A_313 : vector<16xf32>
        %add3A_317 = arith.constant 16 : i32
        %add3A_318 = vector.broadcast %add3A_317 : i32 to vector<16xi32>
        %add3A_319 = arith.addi %iota3A, %add3A_318 : vector<16xi32>
        %mul3A_320 = arith.constant 30 : i32
        %mul3A_321 = vector.broadcast %mul3A_320 : i32 to vector<16xi32>
        %mul3A_322 = arith.muli %add3A_319, %mul3A_321 : vector<16xi32>
        %add3A_323 = vector.broadcast %scan3A_282 : i32 to vector<16xi32>
        %add3A_324 = arith.addi %mul3A_322, %add3A_323 : vector<16xi32>
        %lt3A_325 = arith.constant 49 : i32
        %lt3A_326 = vector.broadcast %lt3A_325 : i32 to vector<16xi32>
        %lt3A_327 = arith.cmpi slt, %add3A_319, %lt3A_326 : vector<16xi32>
        %gather3A_328 = tpu.vector_load_idx %arg4[%broadcast_in_dim3A_6, %add3A_324] masked %lt3A_327 : memref<1x1470xf32, #tpu.memory_space<vmem>>[vector<16xi32>, vector<16xi32>], vector<16xf32>, vector<16xi1>
        %neg3A_329 = arith.constant 0.000000e+00 : f32
        %neg3A_330 = vector.broadcast %neg3A_329 : f32 to vector<16xf32>
        %neg3A_331 = arith.subf %neg3A_330, %gather3A_328 : vector<16xf32>
        %exp3A_332 = math.exp %neg3A_331 : vector<16xf32>
        %add3A_333 = arith.constant 1.000000e+00 : f32
        %add3A_334 = vector.broadcast %add3A_333 : f32 to vector<16xf32>
        %add3A_335 = arith.addf %add3A_334, %exp3A_332 : vector<16xf32>
        %div3A_336 = arith.constant 1.000000e+00 : f32
        %div3A_337 = vector.broadcast %div3A_336 : f32 to vector<16xf32>
        %div3A_338 = arith.divf %div3A_337, %add3A_335 : vector<16xf32>
        %gt3A_339 = arith.cmpf ogt, %div3A_338, %scan3A_284 : vector<16xf32>
        %broadcast_in_dim3A_340 = vector.broadcast %convert_element_type3A_291 : f32 to vector<16xf32>
        %select_n3A_341 = arith.select %gt3A_339, %broadcast_in_dim3A_340, %scan3A_288 : vector<16xi1>, vector<16xf32>
        %max3A_342 = arith.maximumf %scan3A_284, %div3A_338 : vector<16xf32>
        %add3A_343 = arith.constant 32 : i32
        %add3A_344 = vector.broadcast %add3A_343 : i32 to vector<16xi32>
        %add3A_345 = arith.addi %iota3A, %add3A_344 : vector<16xi32>
        %mul3A_346 = arith.constant 30 : i32
        %mul3A_347 = vector.broadcast %mul3A_346 : i32 to vector<16xi32>
        %mul3A_348 = arith.muli %add3A_345, %mul3A_347 : vector<16xi32>
        %add3A_349 = vector.broadcast %scan3A_282 : i32 to vector<16xi32>
        %add3A_350 = arith.addi %mul3A_348, %add3A_349 : vector<16xi32>
        %lt3A_351 = arith.constant 49 : i32
        %lt3A_352 = vector.broadcast %lt3A_351 : i32 to vector<16xi32>
        %lt3A_353 = arith.cmpi slt, %add3A_345, %lt3A_352 : vector<16xi32>
        %gather3A_354 = tpu.vector_load_idx %arg4[%broadcast_in_dim3A_6, %add3A_350] masked %lt3A_353 : memref<1x1470xf32, #tpu.memory_space<vmem>>[vector<16xi32>, vector<16xi32>], vector<16xf32>, vector<16xi1>
        %neg3A_355 = arith.constant 0.000000e+00 : f32
        %neg3A_356 = vector.broadcast %neg3A_355 : f32 to vector<16xf32>
        %neg3A_357 = arith.subf %neg3A_356, %gather3A_354 : vector<16xf32>
        %exp3A_358 = math.exp %neg3A_357 : vector<16xf32>
        %add3A_359 = arith.constant 1.000000e+00 : f32
        %add3A_360 = vector.broadcast %add3A_359 : f32 to vector<16xf32>
        %add3A_361 = arith.addf %add3A_360, %exp3A_358 : vector<16xf32>
        %div3A_362 = arith.constant 1.000000e+00 : f32
        %div3A_363 = vector.broadcast %div3A_362 : f32 to vector<16xf32>
        %div3A_364 = arith.divf %div3A_363, %add3A_361 : vector<16xf32>
        %gt3A_365 = arith.cmpf ogt, %div3A_364, %scan3A_285 : vector<16xf32>
        %broadcast_in_dim3A_366 = vector.broadcast %convert_element_type3A_291 : f32 to vector<16xf32>
        %select_n3A_367 = arith.select %gt3A_365, %broadcast_in_dim3A_366, %scan3A_289 : vector<16xi1>, vector<16xf32>
        %max3A_368 = arith.maximumf %scan3A_285, %div3A_364 : vector<16xf32>
        %add3A_369 = arith.constant 48 : i32
        %add3A_370 = vector.broadcast %add3A_369 : i32 to vector<16xi32>
        %add3A_371 = arith.addi %iota3A, %add3A_370 : vector<16xi32>
        %mul3A_372 = arith.constant 30 : i32
        %mul3A_373 = vector.broadcast %mul3A_372 : i32 to vector<16xi32>
        %mul3A_374 = arith.muli %add3A_371, %mul3A_373 : vector<16xi32>
        %add3A_375 = vector.broadcast %scan3A_282 : i32 to vector<16xi32>
        %add3A_376 = arith.addi %mul3A_374, %add3A_375 : vector<16xi32>
        %lt3A_377 = arith.constant 49 : i32
        %lt3A_378 = vector.broadcast %lt3A_377 : i32 to vector<16xi32>
        %lt3A_379 = arith.cmpi slt, %add3A_371, %lt3A_378 : vector<16xi32>
        %gather3A_380 = tpu.vector_load_idx %arg4[%broadcast_in_dim3A_6, %add3A_376] masked %lt3A_379 : memref<1x1470xf32, #tpu.memory_space<vmem>>[vector<16xi32>, vector<16xi32>], vector<16xf32>, vector<16xi1>
        %neg3A_381 = arith.constant 0.000000e+00 : f32
        %neg3A_382 = vector.broadcast %neg3A_381 : f32 to vector<16xf32>
        %neg3A_383 = arith.subf %neg3A_382, %gather3A_380 : vector<16xf32>
        %exp3A_384 = math.exp %neg3A_383 : vector<16xf32>
        %add3A_385 = arith.constant 1.000000e+00 : f32
        %add3A_386 = vector.broadcast %add3A_385 : f32 to vector<16xf32>
        %add3A_387 = arith.addf %add3A_386, %exp3A_384 : vector<16xf32>
        %div3A_388 = arith.constant 1.000000e+00 : f32
        %div3A_389 = vector.broadcast %div3A_388 : f32 to vector<16xf32>
        %div3A_390 = arith.divf %div3A_389, %add3A_387 : vector<16xf32>
        %gt3A_391 = arith.cmpf ogt, %div3A_390, %scan3A_286 : vector<16xf32>
        %broadcast_in_dim3A_392 = vector.broadcast %convert_element_type3A_291 : f32 to vector<16xf32>
        %select_n3A_393 = arith.select %gt3A_391, %broadcast_in_dim3A_392, %scan3A_290 : vector<16xi1>, vector<16xf32>
        %max3A_394 = arith.maximumf %scan3A_286, %div3A_390 : vector<16xf32>
        scf.yield %max3A_316, %max3A_342, %max3A_368, %max3A_394, %select_n3A_315, %select_n3A_341, %select_n3A_367, %select_n3A_393 : vector<16xf32>, vector<16xf32>, vector<16xf32>, vector<16xf32>, vector<16xf32>, vector<16xf32>, vector<16xf32>, vector<16xf32>
      }
      %scan3A_101 = arith.constant 19 : i32
      %swap3A = arith.constant 640 : index
      %swap3A_102 = tpu.vector_load %arg5[%swap3A] {strides = array<i32>} : memref<768xf32, #tpu.memory_space<vmem>>, vector<16xf32>,
      tpu.vector_store %arg5[%swap3A], %scan3A_100#4 {strides = array<i32>} : memref<768xf32, #tpu.memory_space<vmem>>, vector<16xf32>,
      %swap3A_103 = arith.constant 656 : index
      %swap3A_104 = tpu.vector_load %arg5[%swap3A_103] {strides = array<i32>} : memref<768xf32, #tpu.memory_space<vmem>>, vector<16xf32>,
      tpu.vector_store %arg5[%swap3A_103], %scan3A_100#5 {strides = array<i32>} : memref<768xf32, #tpu.memory_space<vmem>>, vector<16xf32>,
      %swap3A_105 = arith.constant 672 : index
      %swap3A_106 = tpu.vector_load %arg5[%swap3A_105] {strides = array<i32>} : memref<768xf32, #tpu.memory_space<vmem>>, vector<16xf32>,
      tpu.vector_store %arg5[%swap3A_105], %scan3A_100#6 {strides = array<i32>} : memref<768xf32, #tpu.memory_space<vmem>>, vector<16xf32>,
      %swap3A_107 = arith.constant 688 : index
      %swap3A_108 = tpu.vector_load %arg5[%swap3A_107] {strides = array<i32>} : memref<768xf32, #tpu.memory_space<vmem>>, vector<16xf32>,
      tpu.vector_store %arg5[%swap3A_107], %scan3A_100#7 {strides = array<i32>} : memref<768xf32, #tpu.memory_space<vmem>>, vector<16xf32>,
      %scan3A_109 = arith.constant 0 : i32
      %scan3A_110 = arith.constant 0 : i32
      %scan3A_111 = arith.constant 4 : i32
      %scan3A_112 = arith.addi %scan3A_110, %scan3A_111 : i32
      %scan3A_113 = arith.constant 1 : i32
      scf.for %scan3A_282 = %scan3A_110 to %scan3A_112 step %scan3A_113  : i32 {
        %mul3A_283 = arith.constant 16 : i32
        %mul3A_284 = arith.muli %scan3A_282, %mul3A_283 : i32
        %add3A_285 = vector.broadcast %mul3A_284 : i32 to vector<16xi32>
        %add3A_286 = arith.addi %iota3A, %add3A_285 : vector<16xi32>
        %mul3A_287 = arith.constant 30 : i32
        %mul3A_288 = vector.broadcast %mul3A_287 : i32 to vector<16xi32>
        %mul3A_289 = arith.muli %add3A_286, %mul3A_288 : vector<16xi32>
        %add3A_290 = arith.constant 20 : i32
        %add3A_291 = vector.broadcast %add3A_290 : i32 to vector<16xi32>
        %add3A_292 = arith.addi %mul3A_289, %add3A_291 : vector<16xi32>
        %lt3A_293 = arith.constant 49 : i32
        %lt3A_294 = vector.broadcast %lt3A_293 : i32 to vector<16xi32>
        %lt3A_295 = arith.cmpi slt, %add3A_286, %lt3A_294 : vector<16xi32>
        %gather3A_296 = tpu.vector_load_idx %arg4[%broadcast_in_dim3A_6, %add3A_292] masked %lt3A_295 : memref<1x1470xf32, #tpu.memory_space<vmem>>[vector<16xi32>, vector<16xi32>], vector<16xf32>, vector<16xi1>
        %neg3A_297 = arith.constant 0.000000e+00 : f32
        %neg3A_298 = vector.broadcast %neg3A_297 : f32 to vector<16xf32>
        %neg3A_299 = arith.subf %neg3A_298, %gather3A_296 : vector<16xf32>
        %exp3A_300 = math.exp %neg3A_299 : vector<16xf32>
        %add3A_301 = arith.constant 1.000000e+00 : f32
        %add3A_302 = vector.broadcast %add3A_301 : f32 to vector<16xf32>
        %add3A_303 = arith.addf %add3A_302, %exp3A_300 : vector<16xf32>
        %div3A_304 = arith.constant 1.000000e+00 : f32
        %div3A_305 = vector.broadcast %div3A_304 : f32 to vector<16xf32>
        %div3A_306 = arith.divf %div3A_305, %add3A_303 : vector<16xf32>
        %mul3A_307 = arith.constant 30 : i32
        %mul3A_308 = vector.broadcast %mul3A_307 : i32 to vector<16xi32>
        %mul3A_309 = arith.muli %add3A_286, %mul3A_308 : vector<16xi32>
        %add3A_310 = arith.constant 25 : i32
        %add3A_311 = vector.broadcast %add3A_310 : i32 to vector<16xi32>
        %add3A_312 = arith.addi %mul3A_309, %add3A_311 : vector<16xi32>
        %lt3A_313 = arith.constant 49 : i32
        %lt3A_314 = vector.broadcast %lt3A_313 : i32 to vector<16xi32>
        %lt3A_315 = arith.cmpi slt, %add3A_286, %lt3A_314 : vector<16xi32>
        %gather3A_316 = tpu.vector_load_idx %arg4[%broadcast_in_dim3A_6, %add3A_312] masked %lt3A_315 : memref<1x1470xf32, #tpu.memory_space<vmem>>[vector<16xi32>, vector<16xi32>], vector<16xf32>, vector<16xi1>
        %neg3A_317 = arith.constant 0.000000e+00 : f32
        %neg3A_318 = vector.broadcast %neg3A_317 : f32 to vector<16xf32>
        %neg3A_319 = arith.subf %neg3A_318, %gather3A_316 : vector<16xf32>
        %exp3A_320 = math.exp %neg3A_319 : vector<16xf32>
        %add3A_321 = arith.constant 1.000000e+00 : f32
        %add3A_322 = vector.broadcast %add3A_321 : f32 to vector<16xf32>
        %add3A_323 = arith.addf %add3A_322, %exp3A_320 : vector<16xf32>
        %div3A_324 = arith.constant 1.000000e+00 : f32
        %div3A_325 = vector.broadcast %div3A_324 : f32 to vector<16xf32>
        %div3A_326 = arith.divf %div3A_325, %add3A_323 : vector<16xf32>
        %ge3A = arith.cmpf oge, %div3A_306, %div3A_326 : vector<16xf32>
        %select_n3A_327 = arith.select %ge3A, %div3A_306, %div3A_326 : vector<16xi1>, vector<16xf32>
        %mul3A_328 = arith.constant 30 : i32
        %mul3A_329 = vector.broadcast %mul3A_328 : i32 to vector<16xi32>
        %mul3A_330 = arith.muli %add3A_286, %mul3A_329 : vector<16xi32>
        %add3A_331 = arith.constant 21 : i32
        %add3A_332 = vector.broadcast %add3A_331 : i32 to vector<16xi32>
        %add3A_333 = arith.addi %mul3A_330, %add3A_332 : vector<16xi32>
        %lt3A_334 = arith.constant 49 : i32
        %lt3A_335 = vector.broadcast %lt3A_334 : i32 to vector<16xi32>
        %lt3A_336 = arith.cmpi slt, %add3A_286, %lt3A_335 : vector<16xi32>
        %gather3A_337 = tpu.vector_load_idx %arg4[%broadcast_in_dim3A_6, %add3A_333] masked %lt3A_336 : memref<1x1470xf32, #tpu.memory_space<vmem>>[vector<16xi32>, vector<16xi32>], vector<16xf32>, vector<16xi1>
        %mul3A_338 = arith.constant 30 : i32
        %mul3A_339 = vector.broadcast %mul3A_338 : i32 to vector<16xi32>
        %mul3A_340 = arith.muli %add3A_286, %mul3A_339 : vector<16xi32>
        %add3A_341 = arith.constant 26 : i32
        %add3A_342 = vector.broadcast %add3A_341 : i32 to vector<16xi32>
        %add3A_343 = arith.addi %mul3A_340, %add3A_342 : vector<16xi32>
        %lt3A_344 = arith.constant 49 : i32
        %lt3A_345 = vector.broadcast %lt3A_344 : i32 to vector<16xi32>
        %lt3A_346 = arith.cmpi slt, %add3A_286, %lt3A_345 : vector<16xi32>
        %gather3A_347 = tpu.vector_load_idx %arg4[%broadcast_in_dim3A_6, %add3A_343] masked %lt3A_346 : memref<1x1470xf32, #tpu.memory_space<vmem>>[vector<16xi32>, vector<16xi32>], vector<16xf32>, vector<16xi1>
        %select_n3A_348 = arith.select %ge3A, %gather3A_337, %gather3A_347 : vector<16xi1>, vector<16xf32>
        %neg3A_349 = arith.constant 0.000000e+00 : f32
        %neg3A_350 = vector.broadcast %neg3A_349 : f32 to vector<16xf32>
        %neg3A_351 = arith.subf %neg3A_350, %select_n3A_348 : vector<16xf32>
        %exp3A_352 = math.exp %neg3A_351 : vector<16xf32>
        %add3A_353 = arith.constant 1.000000e+00 : f32
        %add3A_354 = vector.broadcast %add3A_353 : f32 to vector<16xf32>
        %add3A_355 = arith.addf %add3A_354, %exp3A_352 : vector<16xf32>
        %div3A_356 = arith.constant 1.000000e+00 : f32
        %div3A_357 = vector.broadcast %div3A_356 : f32 to vector<16xf32>
        %div3A_358 = arith.divf %div3A_357, %add3A_355 : vector<16xf32>
        %mul3A_359 = arith.constant 30 : i32
        %mul3A_360 = vector.broadcast %mul3A_359 : i32 to vector<16xi32>
        %mul3A_361 = arith.muli %add3A_286, %mul3A_360 : vector<16xi32>
        %add3A_362 = arith.constant 22 : i32
        %add3A_363 = vector.broadcast %add3A_362 : i32 to vector<16xi32>
        %add3A_364 = arith.addi %mul3A_361, %add3A_363 : vector<16xi32>
        %lt3A_365 = arith.constant 49 : i32
        %lt3A_366 = vector.broadcast %lt3A_365 : i32 to vector<16xi32>
        %lt3A_367 = arith.cmpi slt, %add3A_286, %lt3A_366 : vector<16xi32>
        %gather3A_368 = tpu.vector_load_idx %arg4[%broadcast_in_dim3A_6, %add3A_364] masked %lt3A_367 : memref<1x1470xf32, #tpu.memory_space<vmem>>[vector<16xi32>, vector<16xi32>], vector<16xf32>, vector<16xi1>
        %mul3A_369 = arith.constant 30 : i32
        %mul3A_370 = vector.broadcast %mul3A_369 : i32 to vector<16xi32>
        %mul3A_371 = arith.muli %add3A_286, %mul3A_370 : vector<16xi32>
        %add3A_372 = arith.constant 27 : i32
        %add3A_373 = vector.broadcast %add3A_372 : i32 to vector<16xi32>
        %add3A_374 = arith.addi %mul3A_371, %add3A_373 : vector<16xi32>
        %lt3A_375 = arith.constant 49 : i32
        %lt3A_376 = vector.broadcast %lt3A_375 : i32 to vector<16xi32>
        %lt3A_377 = arith.cmpi slt, %add3A_286, %lt3A_376 : vector<16xi32>
        %gather3A_378 = tpu.vector_load_idx %arg4[%broadcast_in_dim3A_6, %add3A_374] masked %lt3A_377 : memref<1x1470xf32, #tpu.memory_space<vmem>>[vector<16xi32>, vector<16xi32>], vector<16xf32>, vector<16xi1>
        %select_n3A_379 = arith.select %ge3A, %gather3A_368, %gather3A_378 : vector<16xi1>, vector<16xf32>
        %neg3A_380 = arith.constant 0.000000e+00 : f32
        %neg3A_381 = vector.broadcast %neg3A_380 : f32 to vector<16xf32>
        %neg3A_382 = arith.subf %neg3A_381, %select_n3A_379 : vector<16xf32>
        %exp3A_383 = math.exp %neg3A_382 : vector<16xf32>
        %add3A_384 = arith.constant 1.000000e+00 : f32
        %add3A_385 = vector.broadcast %add3A_384 : f32 to vector<16xf32>
        %add3A_386 = arith.addf %add3A_385, %exp3A_383 : vector<16xf32>
        %div3A_387 = arith.constant 1.000000e+00 : f32
        %div3A_388 = vector.broadcast %div3A_387 : f32 to vector<16xf32>
        %div3A_389 = arith.divf %div3A_388, %add3A_386 : vector<16xf32>
        %mul3A_390 = arith.constant 30 : i32
        %mul3A_391 = vector.broadcast %mul3A_390 : i32 to vector<16xi32>
        %mul3A_392 = arith.muli %add3A_286, %mul3A_391 : vector<16xi32>
        %add3A_393 = arith.constant 23 : i32
        %add3A_394 = vector.broadcast %add3A_393 : i32 to vector<16xi32>
        %add3A_395 = arith.addi %mul3A_392, %add3A_394 : vector<16xi32>
        %lt3A_396 = arith.constant 49 : i32
        %lt3A_397 = vector.broadcast %lt3A_396 : i32 to vector<16xi32>
        %lt3A_398 = arith.cmpi slt, %add3A_286, %lt3A_397 : vector<16xi32>
        %gather3A_399 = tpu.vector_load_idx %arg4[%broadcast_in_dim3A_6, %add3A_395] masked %lt3A_398 : memref<1x1470xf32, #tpu.memory_space<vmem>>[vector<16xi32>, vector<16xi32>], vector<16xf32>, vector<16xi1>
        %mul3A_400 = arith.constant 30 : i32
        %mul3A_401 = vector.broadcast %mul3A_400 : i32 to vector<16xi32>
        %mul3A_402 = arith.muli %add3A_286, %mul3A_401 : vector<16xi32>
        %add3A_403 = arith.constant 28 : i32
        %add3A_404 = vector.broadcast %add3A_403 : i32 to vector<16xi32>
        %add3A_405 = arith.addi %mul3A_402, %add3A_404 : vector<16xi32>
        %lt3A_406 = arith.constant 49 : i32
        %lt3A_407 = vector.broadcast %lt3A_406 : i32 to vector<16xi32>
        %lt3A_408 = arith.cmpi slt, %add3A_286, %lt3A_407 : vector<16xi32>
        %gather3A_409 = tpu.vector_load_idx %arg4[%broadcast_in_dim3A_6, %add3A_405] masked %lt3A_408 : memref<1x1470xf32, #tpu.memory_space<vmem>>[vector<16xi32>, vector<16xi32>], vector<16xf32>, vector<16xi1>
        %select_n3A_410 = arith.select %ge3A, %gather3A_399, %gather3A_409 : vector<16xi1>, vector<16xf32>
        %neg3A_411 = arith.constant 0.000000e+00 : f32
        %neg3A_412 = vector.broadcast %neg3A_411 : f32 to vector<16xf32>
        %neg3A_413 = arith.subf %neg3A_412, %select_n3A_410 : vector<16xf32>
        %exp3A_414 = math.exp %neg3A_413 : vector<16xf32>
        %add3A_415 = arith.constant 1.000000e+00 : f32
        %add3A_416 = vector.broadcast %add3A_415 : f32 to vector<16xf32>
        %add3A_417 = arith.addf %add3A_416, %exp3A_414 : vector<16xf32>
        %div3A_418 = arith.constant 1.000000e+00 : f32
        %div3A_419 = vector.broadcast %div3A_418 : f32 to vector<16xf32>
        %div3A_420 = arith.divf %div3A_419, %add3A_417 : vector<16xf32>
        %mul3A_421 = arith.constant 30 : i32
        %mul3A_422 = vector.broadcast %mul3A_421 : i32 to vector<16xi32>
        %mul3A_423 = arith.muli %add3A_286, %mul3A_422 : vector<16xi32>
        %add3A_424 = arith.constant 24 : i32
        %add3A_425 = vector.broadcast %add3A_424 : i32 to vector<16xi32>
        %add3A_426 = arith.addi %mul3A_423, %add3A_425 : vector<16xi32>
        %lt3A_427 = arith.constant 49 : i32
        %lt3A_428 = vector.broadcast %lt3A_427 : i32 to vector<16xi32>
        %lt3A_429 = arith.cmpi slt, %add3A_286, %lt3A_428 : vector<16xi32>
        %gather3A_430 = tpu.vector_load_idx %arg4[%broadcast_in_dim3A_6, %add3A_426] masked %lt3A_429 : memref<1x1470xf32, #tpu.memory_space<vmem>>[vector<16xi32>, vector<16xi32>], vector<16xf32>, vector<16xi1>
        %mul3A_431 = arith.constant 30 : i32
        %mul3A_432 = vector.broadcast %mul3A_431 : i32 to vector<16xi32>
        %mul3A_433 = arith.muli %add3A_286, %mul3A_432 : vector<16xi32>
        %add3A_434 = arith.constant 29 : i32
        %add3A_435 = vector.broadcast %add3A_434 : i32 to vector<16xi32>
        %add3A_436 = arith.addi %mul3A_433, %add3A_435 : vector<16xi32>
        %lt3A_437 = arith.constant 49 : i32
        %lt3A_438 = vector.broadcast %lt3A_437 : i32 to vector<16xi32>
        %lt3A_439 = arith.cmpi slt, %add3A_286, %lt3A_438 : vector<16xi32>
        %gather3A_440 = tpu.vector_load_idx %arg4[%broadcast_in_dim3A_6, %add3A_436] masked %lt3A_439 : memref<1x1470xf32, #tpu.memory_space<vmem>>[vector<16xi32>, vector<16xi32>], vector<16xf32>, vector<16xi1>
        %select_n3A_441 = arith.select %ge3A, %gather3A_430, %gather3A_440 : vector<16xi1>, vector<16xf32>
        %neg3A_442 = arith.constant 0.000000e+00 : f32
        %neg3A_443 = vector.broadcast %neg3A_442 : f32 to vector<16xf32>
        %neg3A_444 = arith.subf %neg3A_443, %select_n3A_441 : vector<16xf32>
        %exp3A_445 = math.exp %neg3A_444 : vector<16xf32>
        %add3A_446 = arith.constant 1.000000e+00 : f32
        %add3A_447 = vector.broadcast %add3A_446 : f32 to vector<16xf32>
        %add3A_448 = arith.addf %add3A_447, %exp3A_445 : vector<16xf32>
        %div3A_449 = arith.constant 1.000000e+00 : f32
        %div3A_450 = vector.broadcast %div3A_449 : f32 to vector<16xf32>
        %div3A_451 = arith.divf %div3A_450, %add3A_448 : vector<16xf32>
        %jit3A_452 = arith.constant 7 : i32
        %eq3A_453 = arith.constant 0 : i32
        %eq3A_454 = arith.cmpi eq, %jit3A_452, %eq3A_453 : i32
        %jit3A_455 = arith.constant 1 : i32
        %select_n3A_456 = arith.select %eq3A_454, %jit3A_455, %jit3A_452 : i32
        %rem3A = vector.broadcast %select_n3A_456 : i32 to vector<16xi32>
        %rem3A_457 = arith.remsi %add3A_286, %rem3A : vector<16xi32>
        %ne3A = arith.constant 0 : i32
        %ne3A_458 = vector.broadcast %ne3A : i32 to vector<16xi32>
        %ne3A_459 = arith.cmpi ne, %rem3A_457, %ne3A_458 : vector<16xi32>
        %lt3A_460 = arith.constant 0 : i32
        %lt3A_461 = vector.broadcast %lt3A_460 : i32 to vector<16xi32>
        %lt3A_462 = arith.cmpi slt, %rem3A_457, %lt3A_461 : vector<16xi32>
        %lt3A_463 = arith.constant 0 : i32
        %lt3A_464 = arith.cmpi slt, %select_n3A_456, %lt3A_463 : i32
        %ne3A_465 = vector.broadcast %lt3A_464 : i1 to vector<16xi1>
        %ne3A_466 = vector.broadcast %ne3A_465 : vector<16xi1> to vector<16xi1>
        %ne3A_467 = arith.xori %lt3A_462, %ne3A_466 : vector<16xi1>
        %and3A_468 = arith.andi %ne3A_467, %ne3A_459 : vector<16xi1>
        %add3A_469 = vector.broadcast %select_n3A_456 : i32 to vector<16xi32>
        %add3A_470 = arith.addi %rem3A_457, %add3A_469 : vector<16xi32>
        %select_n3A_471 = arith.select %and3A_468, %add3A_470, %rem3A_457 : vector<16xi1>, vector<16xi32>
        %convert_element_type3A_472 = arith.sitofp %select_n3A_471 : vector<16xi32> to vector<16xf32>
        %jit3A_473 = arith.constant 7 : i32
        %div3A_474 = vector.broadcast %jit3A_473 : i32 to vector<16xi32>
        %div3A_475 = arith.divsi %add3A_286, %div3A_474 : vector<16xi32>
        %sign3A = arith.constant 0 : i32
        %sign3A_476 = vector.broadcast %sign3A : i32 to vector<16xi32>
        %sign3A_477 = arith.cmpi sgt, %add3A_286, %sign3A_476 : vector<16xi32>
        %sign3A_478 = arith.extui %sign3A_477 : vector<16xi1> to vector<16xi32>
        %sign3A_479 = arith.constant 0 : i32
        %sign3A_480 = vector.broadcast %sign3A_479 : i32 to vector<16xi32>
        %sign3A_481 = arith.cmpi slt, %add3A_286, %sign3A_480 : vector<16xi32>
        %sign3A_482 = arith.extui %sign3A_481 : vector<16xi1> to vector<16xi32>
        %sign3A_483 = arith.subi %sign3A_478, %sign3A_482 : vector<16xi32>
        %sign3A_484 = arith.constant 0 : i32
        %sign3A_485 = arith.cmpi sgt, %jit3A_473, %sign3A_484 : i32
        %sign3A_486 = arith.extui %sign3A_485 : i1 to i32
        %sign3A_487 = arith.constant 0 : i32
        %sign3A_488 = arith.cmpi slt, %jit3A_473, %sign3A_487 : i32
        %sign3A_489 = arith.extui %sign3A_488 : i1 to i32
        %sign3A_490 = arith.subi %sign3A_486, %sign3A_489 : i32
        %ne3A_491 = vector.broadcast %sign3A_490 : i32 to vector<16xi32>
        %ne3A_492 = arith.cmpi ne, %sign3A_483, %ne3A_491 : vector<16xi32>
        %rem3A_493 = vector.broadcast %jit3A_473 : i32 to vector<16xi32>
        %rem3A_494 = arith.remsi %add3A_286, %rem3A_493 : vector<16xi32>
        %ne3A_495 = arith.constant 0 : i32
        %ne3A_496 = vector.broadcast %ne3A_495 : i32 to vector<16xi32>
        %ne3A_497 = arith.cmpi ne, %rem3A_494, %ne3A_496 : vector<16xi32>
        %and3A_498 = arith.andi %ne3A_492, %ne3A_497 : vector<16xi1>
        %sub3A_499 = arith.constant 1 : i32
        %sub3A_500 = vector.broadcast %sub3A_499 : i32 to vector<16xi32>
        %sub3A_501 = arith.subi %div3A_475, %sub3A_500 : vector<16xi32>
        %select_n3A_502 = arith.select %and3A_498, %sub3A_501, %div3A_475 : vector<16xi1>, vector<16xi32>
        %convert_element_type3A_503 = arith.sitofp %select_n3A_502 : vector<16xi32> to vector<16xf32>
        %add3A_504 = arith.addf %div3A_358, %convert_element_type3A_472 : vector<16xf32>
        %mul3A_505 = arith.constant 6.400000e+01 : f32
        %mul3A_506 = vector.broadcast %mul3A_505 : f32 to vector<16xf32>
        %mul3A_507 = arith.mulf %add3A_504, %mul3A_506 : vector<16xf32>
        %add3A_508 = arith.addf %div3A_389, %convert_element_type3A_503 : vector<16xf32>
        %mul3A_509 = arith.constant 6.400000e+01 : f32
        %mul3A_510 = vector.broadcast %mul3A_509 : f32 to vector<16xf32>
        %mul3A_511 = arith.mulf %add3A_508, %mul3A_510 : vector<16xf32>
        %mul3A_512 = arith.constant 7.000000e+00 : f32
        %mul3A_513 = vector.broadcast %mul3A_512 : f32 to vector<16xf32>
        %mul3A_514 = arith.mulf %div3A_420, %mul3A_513 : vector<16xf32>
        %mul3A_515 = arith.constant 6.400000e+01 : f32
        %mul3A_516 = vector.broadcast %mul3A_515 : f32 to vector<16xf32>
        %mul3A_517 = arith.mulf %mul3A_514, %mul3A_516 : vector<16xf32>
        %mul3A_518 = arith.constant 7.000000e+00 : f32
        %mul3A_519 = vector.broadcast %mul3A_518 : f32 to vector<16xf32>
        %mul3A_520 = arith.mulf %div3A_451, %mul3A_519 : vector<16xf32>
        %mul3A_521 = arith.constant 6.400000e+01 : f32
        %mul3A_522 = vector.broadcast %mul3A_521 : f32 to vector<16xf32>
        %mul3A_523 = arith.mulf %mul3A_520, %mul3A_522 : vector<16xf32>
        %div3A_524 = arith.constant 2.000000e+00 : f32
        %div3A_525 = vector.broadcast %div3A_524 : f32 to vector<16xf32>
        %div3A_526 = arith.divf %mul3A_517, %div3A_525 : vector<16xf32>
        %sub3A_527 = arith.subf %mul3A_507, %div3A_526 : vector<16xf32>
        %div3A_528 = arith.constant 2.000000e+00 : f32
        %div3A_529 = vector.broadcast %div3A_528 : f32 to vector<16xf32>
        %div3A_530 = arith.divf %mul3A_523, %div3A_529 : vector<16xf32>
        %sub3A_531 = arith.subf %mul3A_511, %div3A_530 : vector<16xf32>
        %div3A_532 = arith.constant 2.000000e+00 : f32
        %div3A_533 = vector.broadcast %div3A_532 : f32 to vector<16xf32>
        %div3A_534 = arith.divf %mul3A_517, %div3A_533 : vector<16xf32>
        %add3A_535 = arith.addf %mul3A_507, %div3A_534 : vector<16xf32>
        %div3A_536 = arith.constant 2.000000e+00 : f32
        %div3A_537 = vector.broadcast %div3A_536 : f32 to vector<16xf32>
        %div3A_538 = arith.divf %mul3A_523, %div3A_537 : vector<16xf32>
        %add3A_539 = arith.addf %mul3A_511, %div3A_538 : vector<16xf32>
        %mul3A_540 = arith.constant 16 : i32
        %mul3A_541 = arith.muli %scan3A_282, %mul3A_540 : i32
        %add3A_542 = arith.constant 0 : i32
        %add3A_543 = arith.addi %add3A_542, %mul3A_541 : i32
        %swap3A_544 = arith.index_cast %add3A_543 : i32 to index
        %swap3A_545 = tpu.vector_load %arg5[%swap3A_544] {strides = array<i32>} : memref<768xf32, #tpu.memory_space<vmem>>, vector<16xf32>,
        tpu.vector_store %arg5[%swap3A_544], %sub3A_527 {strides = array<i32>} : memref<768xf32, #tpu.memory_space<vmem>>, vector<16xf32>,
        %add3A_546 = arith.constant 64 : i32
        %add3A_547 = arith.addi %add3A_546, %mul3A_541 : i32
        %swap3A_548 = arith.index_cast %add3A_547 : i32 to index
        %swap3A_549 = tpu.vector_load %arg5[%swap3A_548] {strides = array<i32>} : memref<768xf32, #tpu.memory_space<vmem>>, vector<16xf32>,
        tpu.vector_store %arg5[%swap3A_548], %sub3A_531 {strides = array<i32>} : memref<768xf32, #tpu.memory_space<vmem>>, vector<16xf32>,
        %add3A_550 = arith.constant 128 : i32
        %add3A_551 = arith.addi %add3A_550, %mul3A_541 : i32
        %swap3A_552 = arith.index_cast %add3A_551 : i32 to index
        %swap3A_553 = tpu.vector_load %arg5[%swap3A_552] {strides = array<i32>} : memref<768xf32, #tpu.memory_space<vmem>>, vector<16xf32>,
        tpu.vector_store %arg5[%swap3A_552], %add3A_535 {strides = array<i32>} : memref<768xf32, #tpu.memory_space<vmem>>, vector<16xf32>,
        %add3A_554 = arith.constant 192 : i32
        %add3A_555 = arith.addi %add3A_554, %mul3A_541 : i32
        %swap3A_556 = arith.index_cast %add3A_555 : i32 to index
        %swap3A_557 = tpu.vector_load %arg5[%swap3A_556] {strides = array<i32>} : memref<768xf32, #tpu.memory_space<vmem>>, vector<16xf32>,
        tpu.vector_store %arg5[%swap3A_556], %add3A_539 {strides = array<i32>} : memref<768xf32, #tpu.memory_space<vmem>>, vector<16xf32>,
        %sub3A_558 = arith.subf %add3A_535, %sub3A_527 : vector<16xf32>
        %sub3A_559 = arith.subf %add3A_539, %sub3A_531 : vector<16xf32>
        %mul3A_560 = arith.mulf %sub3A_558, %sub3A_559 : vector<16xf32>
        %add3A_561 = arith.constant 256 : i32
        %add3A_562 = arith.addi %add3A_561, %mul3A_541 : i32
        %swap3A_563 = arith.index_cast %add3A_562 : i32 to index
        %swap3A_564 = tpu.vector_load %arg5[%swap3A_563] {strides = array<i32>} : memref<768xf32, #tpu.memory_space<vmem>>, vector<16xf32>,
        tpu.vector_store %arg5[%swap3A_563], %mul3A_560 {strides = array<i32>} : memref<768xf32, #tpu.memory_space<vmem>>, vector<16xf32>,
        %add3A_565 = arith.constant 320 : i32
        %add3A_566 = arith.addi %add3A_565, %mul3A_541 : i32
        %swap3A_567 = arith.index_cast %add3A_566 : i32 to index
        %swap3A_568 = tpu.vector_load %arg5[%swap3A_567] {strides = array<i32>} : memref<768xf32, #tpu.memory_space<vmem>>, vector<16xf32>,
        tpu.vector_store %arg5[%swap3A_567], %mul3A_507 {strides = array<i32>} : memref<768xf32, #tpu.memory_space<vmem>>, vector<16xf32>,
        %add3A_569 = arith.constant 384 : i32
        %add3A_570 = arith.addi %add3A_569, %mul3A_541 : i32
        %swap3A_571 = arith.index_cast %add3A_570 : i32 to index
        %swap3A_572 = tpu.vector_load %arg5[%swap3A_571] {strides = array<i32>} : memref<768xf32, #tpu.memory_space<vmem>>, vector<16xf32>,
        tpu.vector_store %arg5[%swap3A_571], %mul3A_511 {strides = array<i32>} : memref<768xf32, #tpu.memory_space<vmem>>, vector<16xf32>,
        %add3A_573 = arith.constant 448 : i32
        %add3A_574 = arith.addi %add3A_573, %mul3A_541 : i32
        %swap3A_575 = arith.index_cast %add3A_574 : i32 to index
        %swap3A_576 = tpu.vector_load %arg5[%swap3A_575] {strides = array<i32>} : memref<768xf32, #tpu.memory_space<vmem>>, vector<16xf32>,
        tpu.vector_store %arg5[%swap3A_575], %mul3A_517 {strides = array<i32>} : memref<768xf32, #tpu.memory_space<vmem>>, vector<16xf32>,
        %add3A_577 = arith.constant 512 : i32
        %add3A_578 = arith.addi %add3A_577, %mul3A_541 : i32
        %swap3A_579 = arith.index_cast %add3A_578 : i32 to index
        %swap3A_580 = tpu.vector_load %arg5[%swap3A_579] {strides = array<i32>} : memref<768xf32, #tpu.memory_space<vmem>>, vector<16xf32>,
        tpu.vector_store %arg5[%swap3A_579], %mul3A_523 {strides = array<i32>} : memref<768xf32, #tpu.memory_space<vmem>>, vector<16xf32>,
        %add3A_581 = arith.constant 576 : i32
        %add3A_582 = arith.addi %add3A_581, %mul3A_541 : i32
        %swap3A_583 = arith.index_cast %add3A_582 : i32 to index
        %swap3A_584 = tpu.vector_load %arg5[%swap3A_583] {strides = array<i32>} : memref<768xf32, #tpu.memory_space<vmem>>, vector<16xf32>,
        tpu.vector_store %arg5[%swap3A_583], %select_n3A_327 {strides = array<i32>} : memref<768xf32, #tpu.memory_space<vmem>>, vector<16xf32>,
        %add3A_585 = arith.constant 704 : i32
        %add3A_586 = arith.addi %add3A_585, %mul3A_541 : i32
        %swap3A_587 = arith.index_cast %add3A_586 : i32 to index
        %swap3A_588 = tpu.vector_load %arg5[%swap3A_587] {strides = array<i32>} : memref<768xf32, #tpu.memory_space<vmem>>, vector<16xf32>,
        tpu.vector_store %arg5[%swap3A_587], %broadcast_in_dim3A_4 {strides = array<i32>} : memref<768xf32, #tpu.memory_space<vmem>>, vector<16xf32>,
      }
      %scan3A_114 = arith.constant 4 : i32
      %add3A_115 = arith.constant 0 : i32
      %add3A_116 = vector.broadcast %add3A_115 : i32 to vector<16xi32>
      %add3A_117 = arith.addi %iota3A, %add3A_116 : vector<16xi32>
      %get3A = arith.constant 0 : index
      %get3A_118 = tpu.vector_load %arg5[%get3A] {strides = array<i32>} : memref<768xf32, #tpu.memory_space<vmem>>, vector<16xf32>,
      %get3A_119 = arith.constant 64 : index
      %get3A_120 = tpu.vector_load %arg5[%get3A_119] {strides = array<i32>} : memref<768xf32, #tpu.memory_space<vmem>>, vector<16xf32>,
      %get3A_121 = arith.constant 128 : index
      %get3A_122 = tpu.vector_load %arg5[%get3A_121] {strides = array<i32>} : memref<768xf32, #tpu.memory_space<vmem>>, vector<16xf32>,
      %get3A_123 = arith.constant 192 : index
      %get3A_124 = tpu.vector_load %arg5[%get3A_123] {strides = array<i32>} : memref<768xf32, #tpu.memory_space<vmem>>, vector<16xf32>,
      %get3A_125 = arith.constant 256 : index
      %get3A_126 = tpu.vector_load %arg5[%get3A_125] {strides = array<i32>} : memref<768xf32, #tpu.memory_space<vmem>>, vector<16xf32>,
      %get3A_127 = arith.constant 576 : index
      %get3A_128 = tpu.vector_load %arg5[%get3A_127] {strides = array<i32>} : memref<768xf32, #tpu.memory_space<vmem>>, vector<16xf32>,
      %bitcast_convert_type3A = tpu.bitcast %get3A_128 : vector<16xf32> -> vector<16xi32>
      %sub3A = arith.constant 1056964608 : i32
      %sub3A_129 = vector.broadcast %sub3A : i32 to vector<16xi32>
      %sub3A_130 = arith.subi %bitcast_convert_type3A, %sub3A_129 : vector<16xi32>
      %max3A = arith.constant -1 : i32
      %max3A_131 = vector.broadcast %max3A : i32 to vector<16xi32>
      %max3A_132 = arith.maxsi %sub3A_130, %max3A_131 : vector<16xi32>
      %shift_left3A = arith.constant 6 : i32
      %shift_left3A_133 = vector.broadcast %shift_left3A : i32 to vector<16xi32>
      %shift_left3A_134 = arith.shli %max3A_132, %shift_left3A_133 : vector<16xi32>
      %sub3A_135 = arith.constant 63 : i32
      %sub3A_136 = vector.broadcast %sub3A_135 : i32 to vector<16xi32>
      %sub3A_137 = arith.subi %sub3A_136, %add3A_117 : vector<16xi32>
      %or3A = arith.ori %shift_left3A_134, %sub3A_137 : vector<16xi32>
      %lt3A_138 = arith.constant 49 : i32
      %lt3A_139 = vector.broadcast %lt3A_138 : i32 to vector<16xi32>
      %lt3A_140 = arith.cmpi slt, %add3A_117, %lt3A_139 : vector<16xi32>
      %jit3A = arith.constant -1 : i32
      %broadcast_in_dim3A_141 = vector.broadcast %jit3A : i32 to vector<16xi32>
      %select_n3A = arith.select %lt3A_140, %or3A, %broadcast_in_dim3A_141 : vector<16xi1>, vector<16xi32>
      %add3A_142 = arith.constant 16 : i32
      %add3A_143 = vector.broadcast %add3A_142 : i32 to vector<16xi32>
      %add3A_144 = arith.addi %iota3A, %add3A_143 : vector<16xi32>
      %get3A_145 = arith.constant 16 : index
      %get3A_146 = tpu.vector_load %arg5[%get3A_145] {strides = array<i32>} : memref<768xf32, #tpu.memory_space<vmem>>, vector<16xf32>,
      %get3A_147 = arith.constant 80 : index
      %get3A_148 = tpu.vector_load %arg5[%get3A_147] {strides = array<i32>} : memref<768xf32, #tpu.memory_space<vmem>>, vector<16xf32>,
      %get3A_149 = arith.constant 144 : index
      %get3A_150 = tpu.vector_load %arg5[%get3A_149] {strides = array<i32>} : memref<768xf32, #tpu.memory_space<vmem>>, vector<16xf32>,
      %get3A_151 = arith.constant 208 : index
      %get3A_152 = tpu.vector_load %arg5[%get3A_151] {strides = array<i32>} : memref<768xf32, #tpu.memory_space<vmem>>, vector<16xf32>,
      %get3A_153 = arith.constant 272 : index
      %get3A_154 = tpu.vector_load %arg5[%get3A_153] {strides = array<i32>} : memref<768xf32, #tpu.memory_space<vmem>>, vector<16xf32>,
      %get3A_155 = arith.constant 592 : index
      %get3A_156 = tpu.vector_load %arg5[%get3A_155] {strides = array<i32>} : memref<768xf32, #tpu.memory_space<vmem>>, vector<16xf32>,
      %bitcast_convert_type3A_157 = tpu.bitcast %get3A_156 : vector<16xf32> -> vector<16xi32>
      %sub3A_158 = arith.constant 1056964608 : i32
      %sub3A_159 = vector.broadcast %sub3A_158 : i32 to vector<16xi32>
      %sub3A_160 = arith.subi %bitcast_convert_type3A_157, %sub3A_159 : vector<16xi32>
      %max3A_161 = arith.constant -1 : i32
      %max3A_162 = vector.broadcast %max3A_161 : i32 to vector<16xi32>
      %max3A_163 = arith.maxsi %sub3A_160, %max3A_162 : vector<16xi32>
      %shift_left3A_164 = arith.constant 6 : i32
      %shift_left3A_165 = vector.broadcast %shift_left3A_164 : i32 to vector<16xi32>
      %shift_left3A_166 = arith.shli %max3A_163, %shift_left3A_165 : vector<16xi32>
      %sub3A_167 = arith.constant 63 : i32
      %sub3A_168 = vector.broadcast %sub3A_167 : i32 to vector<16xi32>
      %sub3A_169 = arith.subi %sub3A_168, %add3A_144 : vector<16xi32>
      %or3A_170 = arith.ori %shift_left3A_166, %sub3A_169 : vector<16xi32>
      %lt3A_171 = arith.constant 49 : i32
      %lt3A_172 = vector.broadcast %lt3A_171 : i32 to vector<16xi32>
      %lt3A_173 = arith.cmpi slt, %add3A_144, %lt3A_172 : vector<16xi32>
      %jit3A_174 = arith.constant -1 : i32
      %broadcast_in_dim3A_175 = vector.broadcast %jit3A_174 : i32 to vector<16xi32>
      %select_n3A_176 = arith.select %lt3A_173, %or3A_170, %broadcast_in_dim3A_175 : vector<16xi1>, vector<16xi32>
      %add3A_177 = arith.constant 32 : i32
      %add3A_178 = vector.broadcast %add3A_177 : i32 to vector<16xi32>
      %add3A_179 = arith.addi %iota3A, %add3A_178 : vector<16xi32>
      %get3A_180 = arith.constant 32 : index
      %get3A_181 = tpu.vector_load %arg5[%get3A_180] {strides = array<i32>} : memref<768xf32, #tpu.memory_space<vmem>>, vector<16xf32>,
      %get3A_182 = arith.constant 96 : index
      %get3A_183 = tpu.vector_load %arg5[%get3A_182] {strides = array<i32>} : memref<768xf32, #tpu.memory_space<vmem>>, vector<16xf32>,
      %get3A_184 = arith.constant 160 : index
      %get3A_185 = tpu.vector_load %arg5[%get3A_184] {strides = array<i32>} : memref<768xf32, #tpu.memory_space<vmem>>, vector<16xf32>,
      %get3A_186 = arith.constant 224 : index
      %get3A_187 = tpu.vector_load %arg5[%get3A_186] {strides = array<i32>} : memref<768xf32, #tpu.memory_space<vmem>>, vector<16xf32>,
      %get3A_188 = arith.constant 288 : index
      %get3A_189 = tpu.vector_load %arg5[%get3A_188] {strides = array<i32>} : memref<768xf32, #tpu.memory_space<vmem>>, vector<16xf32>,
      %get3A_190 = arith.constant 608 : index
      %get3A_191 = tpu.vector_load %arg5[%get3A_190] {strides = array<i32>} : memref<768xf32, #tpu.memory_space<vmem>>, vector<16xf32>,
      %bitcast_convert_type3A_192 = tpu.bitcast %get3A_191 : vector<16xf32> -> vector<16xi32>
      %sub3A_193 = arith.constant 1056964608 : i32
      %sub3A_194 = vector.broadcast %sub3A_193 : i32 to vector<16xi32>
      %sub3A_195 = arith.subi %bitcast_convert_type3A_192, %sub3A_194 : vector<16xi32>
      %max3A_196 = arith.constant -1 : i32
      %max3A_197 = vector.broadcast %max3A_196 : i32 to vector<16xi32>
      %max3A_198 = arith.maxsi %sub3A_195, %max3A_197 : vector<16xi32>
      %shift_left3A_199 = arith.constant 6 : i32
      %shift_left3A_200 = vector.broadcast %shift_left3A_199 : i32 to vector<16xi32>
      %shift_left3A_201 = arith.shli %max3A_198, %shift_left3A_200 : vector<16xi32>
      %sub3A_202 = arith.constant 63 : i32
      %sub3A_203 = vector.broadcast %sub3A_202 : i32 to vector<16xi32>
      %sub3A_204 = arith.subi %sub3A_203, %add3A_179 : vector<16xi32>
      %or3A_205 = arith.ori %shift_left3A_201, %sub3A_204 : vector<16xi32>
      %lt3A_206 = arith.constant 49 : i32
      %lt3A_207 = vector.broadcast %lt3A_206 : i32 to vector<16xi32>
      %lt3A_208 = arith.cmpi slt, %add3A_179, %lt3A_207 : vector<16xi32>
      %jit3A_209 = arith.constant -1 : i32
      %broadcast_in_dim3A_210 = vector.broadcast %jit3A_209 : i32 to vector<16xi32>
      %select_n3A_211 = arith.select %lt3A_208, %or3A_205, %broadcast_in_dim3A_210 : vector<16xi1>, vector<16xi32>
      %add3A_212 = arith.constant 48 : i32
      %add3A_213 = vector.broadcast %add3A_212 : i32 to vector<16xi32>
      %add3A_214 = arith.addi %iota3A, %add3A_213 : vector<16xi32>
      %get3A_215 = arith.constant 48 : index
      %get3A_216 = tpu.vector_load %arg5[%get3A_215] {strides = array<i32>} : memref<768xf32, #tpu.memory_space<vmem>>, vector<16xf32>,
      %get3A_217 = arith.constant 112 : index
      %get3A_218 = tpu.vector_load %arg5[%get3A_217] {strides = array<i32>} : memref<768xf32, #tpu.memory_space<vmem>>, vector<16xf32>,
      %get3A_219 = arith.constant 176 : index
      %get3A_220 = tpu.vector_load %arg5[%get3A_219] {strides = array<i32>} : memref<768xf32, #tpu.memory_space<vmem>>, vector<16xf32>,
      %get3A_221 = arith.constant 240 : index
      %get3A_222 = tpu.vector_load %arg5[%get3A_221] {strides = array<i32>} : memref<768xf32, #tpu.memory_space<vmem>>, vector<16xf32>,
      %get3A_223 = arith.constant 304 : index
      %get3A_224 = tpu.vector_load %arg5[%get3A_223] {strides = array<i32>} : memref<768xf32, #tpu.memory_space<vmem>>, vector<16xf32>,
      %get3A_225 = arith.constant 624 : index
      %get3A_226 = tpu.vector_load %arg5[%get3A_225] {strides = array<i32>} : memref<768xf32, #tpu.memory_space<vmem>>, vector<16xf32>,
      %bitcast_convert_type3A_227 = tpu.bitcast %get3A_226 : vector<16xf32> -> vector<16xi32>
      %sub3A_228 = arith.constant 1056964608 : i32
      %sub3A_229 = vector.broadcast %sub3A_228 : i32 to vector<16xi32>
      %sub3A_230 = arith.subi %bitcast_convert_type3A_227, %sub3A_229 : vector<16xi32>
      %max3A_231 = arith.constant -1 : i32
      %max3A_232 = vector.broadcast %max3A_231 : i32 to vector<16xi32>
      %max3A_233 = arith.maxsi %sub3A_230, %max3A_232 : vector<16xi32>
      %shift_left3A_234 = arith.constant 6 : i32
      %shift_left3A_235 = vector.broadcast %shift_left3A_234 : i32 to vector<16xi32>
      %shift_left3A_236 = arith.shli %max3A_233, %shift_left3A_235 : vector<16xi32>
      %sub3A_237 = arith.constant 63 : i32
      %sub3A_238 = vector.broadcast %sub3A_237 : i32 to vector<16xi32>
      %sub3A_239 = arith.subi %sub3A_238, %add3A_214 : vector<16xi32>
      %or3A_240 = arith.ori %shift_left3A_236, %sub3A_239 : vector<16xi32>
      %lt3A_241 = arith.constant 49 : i32
      %lt3A_242 = vector.broadcast %lt3A_241 : i32 to vector<16xi32>
      %lt3A_243 = arith.cmpi slt, %add3A_214, %lt3A_242 : vector<16xi32>
      %jit3A_244 = arith.constant -1 : i32
      %broadcast_in_dim3A_245 = vector.broadcast %jit3A_244 : i32 to vector<16xi32>
      %select_n3A_246 = arith.select %lt3A_243, %or3A_240, %broadcast_in_dim3A_245 : vector<16xi1>, vector<16xi32>
      %max3A_247 = arith.maxsi %select_n3A, %select_n3A_176 : vector<16xi32>
      %max3A_248 = arith.maxsi %select_n3A_211, %select_n3A_246 : vector<16xi32>
      %max3A_249 = arith.maxsi %max3A_247, %max3A_248 : vector<16xi32>
      %xor3A = arith.constant 1 : i32
      %xor3A_250 = vector.broadcast %xor3A : i32 to vector<16xi32>
      %xor3A_251 = arith.xori %iota3A, %xor3A_250 : vector<16xi32>
      %reshape3A = vector.shape_cast %xor3A_251 : vector<16xi32> to vector<16x1xi32>
      %gather3A_252 = vector.shape_cast %reshape3A : vector<16x1xi32> to vector<16xi32>
      %gather3A_253 = tpu.dynamic_gather %max3A_249[%gather3A_252] in [0] : vector<16xi32>, vector<16xi32> -> vector<16xi32>
      %max3A_254 = arith.maxsi %max3A_249, %gather3A_253 : vector<16xi32>
      %xor3A_255 = arith.constant 2 : i32
      %xor3A_256 = vector.broadcast %xor3A_255 : i32 to vector<16xi32>
      %xor3A_257 = arith.xori %iota3A, %xor3A_256 : vector<16xi32>
      %reshape3A_258 = vector.shape_cast %xor3A_257 : vector<16xi32> to vector<16x1xi32>
      %gather3A_259 = vector.shape_cast %reshape3A_258 : vector<16x1xi32> to vector<16xi32>
      %gather3A_260 = tpu.dynamic_gather %max3A_254[%gather3A_259] in [0] : vector<16xi32>, vector<16xi32> -> vector<16xi32>
      %max3A_261 = arith.maxsi %max3A_254, %gather3A_260 : vector<16xi32>
      %xor3A_262 = arith.constant 4 : i32
      %xor3A_263 = vector.broadcast %xor3A_262 : i32 to vector<16xi32>
      %xor3A_264 = arith.xori %iota3A, %xor3A_263 : vector<16xi32>
      %reshape3A_265 = vector.shape_cast %xor3A_264 : vector<16xi32> to vector<16x1xi32>
      %gather3A_266 = vector.shape_cast %reshape3A_265 : vector<16x1xi32> to vector<16xi32>
      %gather3A_267 = tpu.dynamic_gather %max3A_261[%gather3A_266] in [0] : vector<16xi32>, vector<16xi32> -> vector<16xi32>
      %max3A_268 = arith.maxsi %max3A_261, %gather3A_267 : vector<16xi32>
      %xor3A_269 = arith.constant 8 : i32
      %xor3A_270 = vector.broadcast %xor3A_269 : i32 to vector<16xi32>
      %xor3A_271 = arith.xori %iota3A, %xor3A_270 : vector<16xi32>
      %reshape3A_272 = vector.shape_cast %xor3A_271 : vector<16xi32> to vector<16x1xi32>
      %gather3A_273 = vector.shape_cast %reshape3A_272 : vector<16x1xi32> to vector<16xi32>
      %gather3A_274 = tpu.dynamic_gather %max3A_268[%gather3A_273] in [0] : vector<16xi32>, vector<16xi32> -> vector<16xi32>
      %max3A_275 = arith.maxsi %max3A_268, %gather3A_274 : vector<16xi32>
      %while3A:5 = scf.while (%while3A_282 = %max3A_275, %while3A_283 = %select_n3A, %while3A_284 = %select_n3A_176, %while3A_285 = %select_n3A_211, %while3A_286 = %select_n3A_246) : (vector<16xi32>, vector<16xi32>, vector<16xi32>, vector<16xi32>, vector<16xi32>) -> (vector<16xi32>, vector<16xi32>, vector<16xi32>, vector<16xi32>, vector<16xi32>) {
        %slice3A = vector.extract_strided_slice %while3A_282 {offsets = [0], sizes = [1], strides = [1]} : vector<16xi32> to vector<1xi32>
        %squeeze3A = vector.extract %slice3A[0] : i32 from vector<1xi32>
        %ge3A = arith.constant 64 : i32
        %ge3A_287 = arith.cmpi sge, %squeeze3A, %ge3A : i32
        scf.condition(%ge3A_287) %while3A_282, %while3A_283, %while3A_284, %while3A_285, %while3A_286 : vector<16xi32>, vector<16xi32>, vector<16xi32>, vector<16xi32>, vector<16xi32>
      } do {
      ^bb0(%while3A_282: vector<16xi32>, %while3A_283: vector<16xi32>, %while3A_284: vector<16xi32>, %while3A_285: vector<16xi32>, %while3A_286: vector<16xi32>):
        %and3A_287 = arith.constant 63 : i32
        %and3A_288 = vector.broadcast %and3A_287 : i32 to vector<16xi32>
        %and3A_289 = arith.andi %while3A_282, %and3A_288 : vector<16xi32>
        %sub3A_290 = arith.constant 63 : i32
        %sub3A_291 = vector.broadcast %sub3A_290 : i32 to vector<16xi32>
        %sub3A_292 = arith.subi %sub3A_291, %and3A_289 : vector<16xi32>
        %add3A_293 = arith.constant 704 : i32
        %add3A_294 = vector.broadcast %add3A_293 : i32 to vector<16xi32>
        %add3A_295 = arith.addi %sub3A_292, %add3A_294 : vector<16xi32>
        tpu.vector_store_idx %arg5[%add3A_295], %broadcast_in_dim3A_8 masked %eq3A_11 : memref<768xf32, #tpu.memory_space<vmem>>[vector<16xi32>], vector<16xf32>, vector<16xi1>
        %gather3A_296 = tpu.vector_load_idx %arg5[%sub3A_292] : memref<768xf32, #tpu.memory_space<vmem>>[vector<16xi32>], vector<16xf32>,
        %add3A_297 = arith.constant 64 : i32
        %add3A_298 = vector.broadcast %add3A_297 : i32 to vector<16xi32>
        %add3A_299 = arith.addi %sub3A_292, %add3A_298 : vector<16xi32>
        %gather3A_300 = tpu.vector_load_idx %arg5[%add3A_299] : memref<768xf32, #tpu.memory_space<vmem>>[vector<16xi32>], vector<16xf32>,
        %add3A_301 = arith.constant 128 : i32
        %add3A_302 = vector.broadcast %add3A_301 : i32 to vector<16xi32>
        %add3A_303 = arith.addi %sub3A_292, %add3A_302 : vector<16xi32>
        %gather3A_304 = tpu.vector_load_idx %arg5[%add3A_303] : memref<768xf32, #tpu.memory_space<vmem>>[vector<16xi32>], vector<16xf32>,
        %add3A_305 = arith.constant 192 : i32
        %add3A_306 = vector.broadcast %add3A_305 : i32 to vector<16xi32>
        %add3A_307 = arith.addi %sub3A_292, %add3A_306 : vector<16xi32>
        %gather3A_308 = tpu.vector_load_idx %arg5[%add3A_307] : memref<768xf32, #tpu.memory_space<vmem>>[vector<16xi32>], vector<16xf32>,
        %add3A_309 = arith.constant 256 : i32
        %add3A_310 = vector.broadcast %add3A_309 : i32 to vector<16xi32>
        %add3A_311 = arith.addi %sub3A_292, %add3A_310 : vector<16xi32>
        %gather3A_312 = tpu.vector_load_idx %arg5[%add3A_311] : memref<768xf32, #tpu.memory_space<vmem>>[vector<16xi32>], vector<16xf32>,
        %max3A_313 = arith.maximumf %get3A_118, %gather3A_296 : vector<16xf32>
        %max3A_314 = arith.maximumf %get3A_120, %gather3A_300 : vector<16xf32>
        %min3A = arith.minimumf %get3A_122, %gather3A_304 : vector<16xf32>
        %min3A_315 = arith.minimumf %get3A_124, %gather3A_308 : vector<16xf32>
        %sub3A_316 = arith.subf %min3A, %max3A_313 : vector<16xf32>
        %max3A_317 = arith.constant 0.000000e+00 : f32
        %max3A_318 = vector.broadcast %max3A_317 : f32 to vector<16xf32>
        %max3A_319 = arith.maximumf %sub3A_316, %max3A_318 : vector<16xf32>
        %sub3A_320 = arith.subf %min3A_315, %max3A_314 : vector<16xf32>
        %max3A_321 = arith.constant 0.000000e+00 : f32
        %max3A_322 = vector.broadcast %max3A_321 : f32 to vector<16xf32>
        %max3A_323 = arith.maximumf %sub3A_320, %max3A_322 : vector<16xf32>
        %mul3A_324 = arith.mulf %max3A_319, %max3A_323 : vector<16xf32>
        %add3A_325 = arith.addf %get3A_126, %gather3A_312 : vector<16xf32>
        %sub3A_326 = arith.subf %add3A_325, %mul3A_324 : vector<16xf32>
        %add3A_327 = arith.constant 9.99999971E-10 : f32
        %add3A_328 = vector.broadcast %add3A_327 : f32 to vector<16xf32>
        %add3A_329 = arith.addf %sub3A_326, %add3A_328 : vector<16xf32>
        %div3A_330 = arith.divf %mul3A_324, %add3A_329 : vector<16xf32>
        %gt3A = arith.constant 5.000000e-01 : f32
        %gt3A_331 = vector.broadcast %gt3A : f32 to vector<16xf32>
        %gt3A_332 = arith.cmpf ogt, %div3A_330, %gt3A_331 : vector<16xf32>
        %eq3A_333 = arith.cmpi eq, %while3A_283, %while3A_282 : vector<16xi32>
        %or3A_334 = arith.ori %gt3A_332, %eq3A_333 : vector<16xi1>
        %jit3A_335 = arith.constant -1 : i32
        %broadcast_in_dim3A_336 = vector.broadcast %jit3A_335 : i32 to vector<16xi32>
        %select_n3A_337 = arith.select %or3A_334, %broadcast_in_dim3A_336, %while3A_283 : vector<16xi1>, vector<16xi32>
        %max3A_338 = arith.maximumf %get3A_146, %gather3A_296 : vector<16xf32>
        %max3A_339 = arith.maximumf %get3A_148, %gather3A_300 : vector<16xf32>
        %min3A_340 = arith.minimumf %get3A_150, %gather3A_304 : vector<16xf32>
        %min3A_341 = arith.minimumf %get3A_152, %gather3A_308 : vector<16xf32>
        %sub3A_342 = arith.subf %min3A_340, %max3A_338 : vector<16xf32>
        %max3A_343 = arith.constant 0.000000e+00 : f32
        %max3A_344 = vector.broadcast %max3A_343 : f32 to vector<16xf32>
        %max3A_345 = arith.maximumf %sub3A_342, %max3A_344 : vector<16xf32>
        %sub3A_346 = arith.subf %min3A_341, %max3A_339 : vector<16xf32>
        %max3A_347 = arith.constant 0.000000e+00 : f32
        %max3A_348 = vector.broadcast %max3A_347 : f32 to vector<16xf32>
        %max3A_349 = arith.maximumf %sub3A_346, %max3A_348 : vector<16xf32>
        %mul3A_350 = arith.mulf %max3A_345, %max3A_349 : vector<16xf32>
        %add3A_351 = arith.addf %get3A_154, %gather3A_312 : vector<16xf32>
        %sub3A_352 = arith.subf %add3A_351, %mul3A_350 : vector<16xf32>
        %add3A_353 = arith.constant 9.99999971E-10 : f32
        %add3A_354 = vector.broadcast %add3A_353 : f32 to vector<16xf32>
        %add3A_355 = arith.addf %sub3A_352, %add3A_354 : vector<16xf32>
        %div3A_356 = arith.divf %mul3A_350, %add3A_355 : vector<16xf32>
        %gt3A_357 = arith.constant 5.000000e-01 : f32
        %gt3A_358 = vector.broadcast %gt3A_357 : f32 to vector<16xf32>
        %gt3A_359 = arith.cmpf ogt, %div3A_356, %gt3A_358 : vector<16xf32>
        %eq3A_360 = arith.cmpi eq, %while3A_284, %while3A_282 : vector<16xi32>
        %or3A_361 = arith.ori %gt3A_359, %eq3A_360 : vector<16xi1>
        %jit3A_362 = arith.constant -1 : i32
        %broadcast_in_dim3A_363 = vector.broadcast %jit3A_362 : i32 to vector<16xi32>
        %select_n3A_364 = arith.select %or3A_361, %broadcast_in_dim3A_363, %while3A_284 : vector<16xi1>, vector<16xi32>
        %max3A_365 = arith.maximumf %get3A_181, %gather3A_296 : vector<16xf32>
        %max3A_366 = arith.maximumf %get3A_183, %gather3A_300 : vector<16xf32>
        %min3A_367 = arith.minimumf %get3A_185, %gather3A_304 : vector<16xf32>
        %min3A_368 = arith.minimumf %get3A_187, %gather3A_308 : vector<16xf32>
        %sub3A_369 = arith.subf %min3A_367, %max3A_365 : vector<16xf32>
        %max3A_370 = arith.constant 0.000000e+00 : f32
        %max3A_371 = vector.broadcast %max3A_370 : f32 to vector<16xf32>
        %max3A_372 = arith.maximumf %sub3A_369, %max3A_371 : vector<16xf32>
        %sub3A_373 = arith.subf %min3A_368, %max3A_366 : vector<16xf32>
        %max3A_374 = arith.constant 0.000000e+00 : f32
        %max3A_375 = vector.broadcast %max3A_374 : f32 to vector<16xf32>
        %max3A_376 = arith.maximumf %sub3A_373, %max3A_375 : vector<16xf32>
        %mul3A_377 = arith.mulf %max3A_372, %max3A_376 : vector<16xf32>
        %add3A_378 = arith.addf %get3A_189, %gather3A_312 : vector<16xf32>
        %sub3A_379 = arith.subf %add3A_378, %mul3A_377 : vector<16xf32>
        %add3A_380 = arith.constant 9.99999971E-10 : f32
        %add3A_381 = vector.broadcast %add3A_380 : f32 to vector<16xf32>
        %add3A_382 = arith.addf %sub3A_379, %add3A_381 : vector<16xf32>
        %div3A_383 = arith.divf %mul3A_377, %add3A_382 : vector<16xf32>
        %gt3A_384 = arith.constant 5.000000e-01 : f32
        %gt3A_385 = vector.broadcast %gt3A_384 : f32 to vector<16xf32>
        %gt3A_386 = arith.cmpf ogt, %div3A_383, %gt3A_385 : vector<16xf32>
        %eq3A_387 = arith.cmpi eq, %while3A_285, %while3A_282 : vector<16xi32>
        %or3A_388 = arith.ori %gt3A_386, %eq3A_387 : vector<16xi1>
        %jit3A_389 = arith.constant -1 : i32
        %broadcast_in_dim3A_390 = vector.broadcast %jit3A_389 : i32 to vector<16xi32>
        %select_n3A_391 = arith.select %or3A_388, %broadcast_in_dim3A_390, %while3A_285 : vector<16xi1>, vector<16xi32>
        %max3A_392 = arith.maximumf %get3A_216, %gather3A_296 : vector<16xf32>
        %max3A_393 = arith.maximumf %get3A_218, %gather3A_300 : vector<16xf32>
        %min3A_394 = arith.minimumf %get3A_220, %gather3A_304 : vector<16xf32>
        %min3A_395 = arith.minimumf %get3A_222, %gather3A_308 : vector<16xf32>
        %sub3A_396 = arith.subf %min3A_394, %max3A_392 : vector<16xf32>
        %max3A_397 = arith.constant 0.000000e+00 : f32
        %max3A_398 = vector.broadcast %max3A_397 : f32 to vector<16xf32>
        %max3A_399 = arith.maximumf %sub3A_396, %max3A_398 : vector<16xf32>
        %sub3A_400 = arith.subf %min3A_395, %max3A_393 : vector<16xf32>
        %max3A_401 = arith.constant 0.000000e+00 : f32
        %max3A_402 = vector.broadcast %max3A_401 : f32 to vector<16xf32>
        %max3A_403 = arith.maximumf %sub3A_400, %max3A_402 : vector<16xf32>
        %mul3A_404 = arith.mulf %max3A_399, %max3A_403 : vector<16xf32>
        %add3A_405 = arith.addf %get3A_224, %gather3A_312 : vector<16xf32>
        %sub3A_406 = arith.subf %add3A_405, %mul3A_404 : vector<16xf32>
        %add3A_407 = arith.constant 9.99999971E-10 : f32
        %add3A_408 = vector.broadcast %add3A_407 : f32 to vector<16xf32>
        %add3A_409 = arith.addf %sub3A_406, %add3A_408 : vector<16xf32>
        %div3A_410 = arith.divf %mul3A_404, %add3A_409 : vector<16xf32>
        %gt3A_411 = arith.constant 5.000000e-01 : f32
        %gt3A_412 = vector.broadcast %gt3A_411 : f32 to vector<16xf32>
        %gt3A_413 = arith.cmpf ogt, %div3A_410, %gt3A_412 : vector<16xf32>
        %eq3A_414 = arith.cmpi eq, %while3A_286, %while3A_282 : vector<16xi32>
        %or3A_415 = arith.ori %gt3A_413, %eq3A_414 : vector<16xi1>
        %jit3A_416 = arith.constant -1 : i32
        %broadcast_in_dim3A_417 = vector.broadcast %jit3A_416 : i32 to vector<16xi32>
        %select_n3A_418 = arith.select %or3A_415, %broadcast_in_dim3A_417, %while3A_286 : vector<16xi1>, vector<16xi32>
        %max3A_419 = arith.maxsi %select_n3A_337, %select_n3A_364 : vector<16xi32>
        %max3A_420 = arith.maxsi %select_n3A_391, %select_n3A_418 : vector<16xi32>
        %max3A_421 = arith.maxsi %max3A_419, %max3A_420 : vector<16xi32>
        %xor3A_422 = arith.constant 1 : i32
        %xor3A_423 = vector.broadcast %xor3A_422 : i32 to vector<16xi32>
        %xor3A_424 = arith.xori %iota3A, %xor3A_423 : vector<16xi32>
        %reshape3A_425 = vector.shape_cast %xor3A_424 : vector<16xi32> to vector<16x1xi32>
        %gather3A_426 = vector.shape_cast %reshape3A_425 : vector<16x1xi32> to vector<16xi32>
        %gather3A_427 = tpu.dynamic_gather %max3A_421[%gather3A_426] in [0] : vector<16xi32>, vector<16xi32> -> vector<16xi32>
        %max3A_428 = arith.maxsi %max3A_421, %gather3A_427 : vector<16xi32>
        %xor3A_429 = arith.constant 2 : i32
        %xor3A_430 = vector.broadcast %xor3A_429 : i32 to vector<16xi32>
        %xor3A_431 = arith.xori %iota3A, %xor3A_430 : vector<16xi32>
        %reshape3A_432 = vector.shape_cast %xor3A_431 : vector<16xi32> to vector<16x1xi32>
        %gather3A_433 = vector.shape_cast %reshape3A_432 : vector<16x1xi32> to vector<16xi32>
        %gather3A_434 = tpu.dynamic_gather %max3A_428[%gather3A_433] in [0] : vector<16xi32>, vector<16xi32> -> vector<16xi32>
        %max3A_435 = arith.maxsi %max3A_428, %gather3A_434 : vector<16xi32>
        %xor3A_436 = arith.constant 4 : i32
        %xor3A_437 = vector.broadcast %xor3A_436 : i32 to vector<16xi32>
        %xor3A_438 = arith.xori %iota3A, %xor3A_437 : vector<16xi32>
        %reshape3A_439 = vector.shape_cast %xor3A_438 : vector<16xi32> to vector<16x1xi32>
        %gather3A_440 = vector.shape_cast %reshape3A_439 : vector<16x1xi32> to vector<16xi32>
        %gather3A_441 = tpu.dynamic_gather %max3A_435[%gather3A_440] in [0] : vector<16xi32>, vector<16xi32> -> vector<16xi32>
        %max3A_442 = arith.maxsi %max3A_435, %gather3A_441 : vector<16xi32>
        %xor3A_443 = arith.constant 8 : i32
        %xor3A_444 = vector.broadcast %xor3A_443 : i32 to vector<16xi32>
        %xor3A_445 = arith.xori %iota3A, %xor3A_444 : vector<16xi32>
        %reshape3A_446 = vector.shape_cast %xor3A_445 : vector<16xi32> to vector<16x1xi32>
        %gather3A_447 = vector.shape_cast %reshape3A_446 : vector<16x1xi32> to vector<16xi32>
        %gather3A_448 = tpu.dynamic_gather %max3A_442[%gather3A_447] in [0] : vector<16xi32>, vector<16xi32> -> vector<16xi32>
        %max3A_449 = arith.maxsi %max3A_442, %gather3A_448 : vector<16xi32>
        scf.yield %max3A_449, %select_n3A_337, %select_n3A_364, %select_n3A_391, %select_n3A_418 : vector<16xi32>, vector<16xi32>, vector<16xi32>, vector<16xi32>, vector<16xi32>
      }
      %scan3A_276 = arith.constant 0 : i32
      %scan3A_277 = arith.constant 0 : i32
      %scan3A_278 = arith.constant 4 : i32
      %scan3A_279 = arith.addi %scan3A_277, %scan3A_278 : i32
      %scan3A_280 = arith.constant 1 : i32
      scf.for %scan3A_282 = %scan3A_277 to %scan3A_279 step %scan3A_280  : i32 {
        %mul3A_283 = arith.constant 16 : i32
        %mul3A_284 = arith.muli %scan3A_282, %mul3A_283 : i32
        %add3A_285 = vector.broadcast %mul3A_284 : i32 to vector<16xi32>
        %add3A_286 = arith.addi %iota3A, %add3A_285 : vector<16xi32>
        %lt3A_287 = arith.constant 49 : i32
        %lt3A_288 = vector.broadcast %lt3A_287 : i32 to vector<16xi32>
        %lt3A_289 = arith.cmpi slt, %add3A_286, %lt3A_288 : vector<16xi32>
        %add3A_290 = arith.constant 704 : i32
        %add3A_291 = arith.addi %add3A_290, %mul3A_284 : i32
        %get3A_292 = arith.index_cast %add3A_291 : i32 to index
        %get3A_293 = tpu.vector_load %arg5[%get3A_292] {strides = array<i32>} : memref<768xf32, #tpu.memory_space<vmem>>, vector<16xf32>,
        %broadcast_in_dim3A_294 = arith.constant 0 : i32
        %broadcast_in_dim3A_295 = vector.broadcast %broadcast_in_dim3A_294 : i32 to vector<16xi32>
        %add3A_296 = arith.constant 320 : i32
        %add3A_297 = arith.addi %add3A_296, %mul3A_284 : i32
        %get3A_298 = arith.index_cast %add3A_297 : i32 to index
        %get3A_299 = tpu.vector_load %arg5[%get3A_298] {strides = array<i32>} : memref<768xf32, #tpu.memory_space<vmem>>, vector<16xf32>,
        %mul3A_300 = arith.mulf %get3A_299, %get3A_293 : vector<16xf32>
        tpu.vector_store_idx %arg6[%add3A_286, %broadcast_in_dim3A_295], %mul3A_300 masked %lt3A_289 : memref<49x6xf32, #tpu.memory_space<vmem>>[vector<16xi32>, vector<16xi32>], vector<16xf32>, vector<16xi1>
        %broadcast_in_dim3A_301 = arith.constant 1 : i32
        %broadcast_in_dim3A_302 = vector.broadcast %broadcast_in_dim3A_301 : i32 to vector<16xi32>
        %add3A_303 = arith.constant 384 : i32
        %add3A_304 = arith.addi %add3A_303, %mul3A_284 : i32
        %get3A_305 = arith.index_cast %add3A_304 : i32 to index
        %get3A_306 = tpu.vector_load %arg5[%get3A_305] {strides = array<i32>} : memref<768xf32, #tpu.memory_space<vmem>>, vector<16xf32>,
        %mul3A_307 = arith.mulf %get3A_306, %get3A_293 : vector<16xf32>
        tpu.vector_store_idx %arg6[%add3A_286, %broadcast_in_dim3A_302], %mul3A_307 masked %lt3A_289 : memref<49x6xf32, #tpu.memory_space<vmem>>[vector<16xi32>, vector<16xi32>], vector<16xf32>, vector<16xi1>
        %broadcast_in_dim3A_308 = arith.constant 2 : i32
        %broadcast_in_dim3A_309 = vector.broadcast %broadcast_in_dim3A_308 : i32 to vector<16xi32>
        %add3A_310 = arith.constant 448 : i32
        %add3A_311 = arith.addi %add3A_310, %mul3A_284 : i32
        %get3A_312 = arith.index_cast %add3A_311 : i32 to index
        %get3A_313 = tpu.vector_load %arg5[%get3A_312] {strides = array<i32>} : memref<768xf32, #tpu.memory_space<vmem>>, vector<16xf32>,
        %mul3A_314 = arith.mulf %get3A_313, %get3A_293 : vector<16xf32>
        tpu.vector_store_idx %arg6[%add3A_286, %broadcast_in_dim3A_309], %mul3A_314 masked %lt3A_289 : memref<49x6xf32, #tpu.memory_space<vmem>>[vector<16xi32>, vector<16xi32>], vector<16xf32>, vector<16xi1>
        %broadcast_in_dim3A_315 = arith.constant 3 : i32
        %broadcast_in_dim3A_316 = vector.broadcast %broadcast_in_dim3A_315 : i32 to vector<16xi32>
        %add3A_317 = arith.constant 512 : i32
        %add3A_318 = arith.addi %add3A_317, %mul3A_284 : i32
        %get3A_319 = arith.index_cast %add3A_318 : i32 to index
        %get3A_320 = tpu.vector_load %arg5[%get3A_319] {strides = array<i32>} : memref<768xf32, #tpu.memory_space<vmem>>, vector<16xf32>,
        %mul3A_321 = arith.mulf %get3A_320, %get3A_293 : vector<16xf32>
        tpu.vector_store_idx %arg6[%add3A_286, %broadcast_in_dim3A_316], %mul3A_321 masked %lt3A_289 : memref<49x6xf32, #tpu.memory_space<vmem>>[vector<16xi32>, vector<16xi32>], vector<16xf32>, vector<16xi1>
        %broadcast_in_dim3A_322 = arith.constant 4 : i32
        %broadcast_in_dim3A_323 = vector.broadcast %broadcast_in_dim3A_322 : i32 to vector<16xi32>
        %add3A_324 = arith.constant 576 : i32
        %add3A_325 = arith.addi %add3A_324, %mul3A_284 : i32
        %get3A_326 = arith.index_cast %add3A_325 : i32 to index
        %get3A_327 = tpu.vector_load %arg5[%get3A_326] {strides = array<i32>} : memref<768xf32, #tpu.memory_space<vmem>>, vector<16xf32>,
        %mul3A_328 = arith.mulf %get3A_327, %get3A_293 : vector<16xf32>
        tpu.vector_store_idx %arg6[%add3A_286, %broadcast_in_dim3A_323], %mul3A_328 masked %lt3A_289 : memref<49x6xf32, #tpu.memory_space<vmem>>[vector<16xi32>, vector<16xi32>], vector<16xf32>, vector<16xi1>
        %broadcast_in_dim3A_329 = arith.constant 5 : i32
        %broadcast_in_dim3A_330 = vector.broadcast %broadcast_in_dim3A_329 : i32 to vector<16xi32>
        %add3A_331 = arith.constant 640 : i32
        %add3A_332 = arith.addi %add3A_331, %mul3A_284 : i32
        %get3A_333 = arith.index_cast %add3A_332 : i32 to index
        %get3A_334 = tpu.vector_load %arg5[%get3A_333] {strides = array<i32>} : memref<768xf32, #tpu.memory_space<vmem>>, vector<16xf32>,
        %mul3A_335 = arith.mulf %get3A_334, %get3A_293 : vector<16xf32>
        tpu.vector_store_idx %arg6[%add3A_286, %broadcast_in_dim3A_330], %mul3A_335 masked %lt3A_289 : memref<49x6xf32, #tpu.memory_space<vmem>>[vector<16xi32>, vector<16xi32>], vector<16xf32>, vector<16xi1>
      }
      %scan3A_281 = arith.constant 4 : i32
      "tpu.region"() ({
        %run_scoped3A = tpu.sem_alloc : memref<!tpu.dma_semaphore, #tpu.memory_space<semaphore_mem>>
        tpu.enqueue_dma source(%arg6 : memref<49x6xf32, #tpu.memory_space<vmem>>) target(%arg3 : memref<49x6xf32, #tpu.memory_space<hbm>>) target_semaphore(%run_scoped3A : memref<!tpu.dma_semaphore, #tpu.memory_space<semaphore_mem>>)
        tpu.wait_dma2 semaphore(%run_scoped3A : memref<!tpu.dma_semaphore, #tpu.memory_space<semaphore_mem>>) src(%arg6 : memref<49x6xf32, #tpu.memory_space<vmem>>) dst(%arg3 : memref<49x6xf32, #tpu.memory_space<hbm>>)
        tpu.yield
      }) : () -> ()
    } else {
    }
    return
  }
}

</mosaic_0001>

<sc_bundles>
// kernel: kernel.3.cloned.1.call-start
scs
__scs_entry_jumppad:
0x0: {  	(pc) =	sbr.rel $0x88, $3  }
0x1: {  	(tag) =	ssettag $0x0;
	lr =	simm.s32 $0x1  }
0x2: {  	[smem:$0x3FA0] =	sst lr;
	_ =	strace $0xD0000000  }
0x3: {  	_ = 	snop  }
0x4: {  	_ = 	snop  }
0x5: {  	_ = 	snop  }
0x6: {  	_ = 	snop  }
0x7: {  	_ = 	snop  }
__scs_overlays_trampoline_lowered:
0x8: {  	[smem:$0x3FAF] =	sst s0  }
0x9: {  	[smem:$0x3FB0] =	sst s1  }
0xa: {  	[smem:$0x3FB1] =	sst s2  }
0xb: {  	[smem:$0x3FB2] =	sst s3  }
0xc: {  	[smem:$0x3FB3] =	sst s4  }
0xd: {  	[smem:$0x3FB4] =	sst s5  }
0xe: {  	[smem:$0x3FB5] =	sst s6  }
0xf: {  	[smem:$0x3FB6] =	sst s7  }
0x10: {  	[smem:$0x3FB7] =	sst s8  }
0x11: {  	[smem:$0x3FB8] =	sst s9;
	s0 =	simm.s32 @!p0 $0x0  }
0x12: {  	s1 =	sld [smem:$0x3F9E];
	s0 =	simm.s32 @p0 $0x1  }
0x13: {  	[smem:$0x3FB9] =	sst s0;
	s0 =	simm.s32 @!p1 $0x0  }
0x14: {  	s2 =	sld [smem:$0x3F9D];
	s0 =	simm.s32 @p1 $0x1  }
0x15: {  	[smem:$0x3FBA] =	sst s0;
	s0 =	simm.s32 @!p2 $0x0  }
0x16: {  	s3 =	sld [smem:$0x3FDB];
	s0 =	simm.s32 @p2 $0x1  }
0x17: {  	s4 =	simm.s32 $0x1BF5;
	[smem:$0x3FBC] =	sst s0  }
0x18: {  	s0 =	sld [smem:$0x3F9F];
	_ =	swait.ge [sflag:s4], $0x0  }
0x19: {  	s7 =	sld [smem:$0x3FA0]  }
0x1a: {  	s8 =	sadd.s32 $0xFFFFE003, lr  }
0x1b: {  	s9 =	sadd.s32 $0xFFFFFEF7, lr;
	s5 =	simm.s32 $0xFFFFFFFF;
	p2 =	slt.u32 s8, $0xFFFFF086  }
0x1c: {  	p1 =	slt.u32 s9, $0xF7A;
	s5 =	simm.s32 @!p2 $0x0  }
0x1d: {  	s5 =	simm.s32 @p1 $0x1;
	p0 =	seq.s32 s7, s2  }
0x1e: {  	s7 =	smul.u32 @!p0 $0xF7A, s2;
	p2 =	seq.s32 @!p0 s5, $0x0  }
0x1f: {  	s9 =	smul.u32 $0xF7A, s1;
	s8 =	simm.s32 @!p0 $0x1BF5;
	p2 =	por !p2, p0  }
0x20: {  	[sflag:s8] =	ssyncset.s32 @!p0 $0xFFFFF086;
	s6 =	sadd.s32 @!p0 s3, s7;
	s7 =	simm.s32 @!p0 $0x108  }
0x21: {  	s3 =	sadd.s32 s3, s9;
	s6 =	sadd.s32 @!p0 $0x88, s6;
	s7 =	simm.s32 @p2 $0x1082  }
0x22: {  	[simem:s7], [sflag:s8] =	dma.local @!p0 [hbm:s6], $0xF7A  }
0x23: {  	s9 =	sor.u32 $0xD0000000, s2;
	s6 =	simm.s32 $0x108;
	_ =	swait.ge @!p0 [sflag:s8], $0x0  }
0x24: {  	s3 =	sadd.s32 $0x88, s3;
	s6 =	simm.s32 @!p1 $0x1082;
	[sflag:s4] =	ssyncset.s32 $0xFFFFF086  }
0x25: {  	[simem:s6], [sflag:s4] =	dma.local [hbm:s3], $0xF7A  }
0x26: {  	[smem:$0x3FA0] =	sst s1;
	(tag) =	ssettag s2;
	_ =	strace s9  }
0x27: {  	s1 =	sld [smem:$0x3FB0]  }
0x28: {  	s2 =	sld [smem:$0x3FB1]  }
0x29: {  	s4 =	sld [smem:$0x3FB3]  }
0x2a: {  	p0 =	seq.s32 s5, $0x0;
	s5 =	sld [smem:$0x3FB4]  }
0x2b: {  	s6 =	sld [smem:$0x3FB5]  }
0x2c: {  	s7 =	sld [smem:$0x3FB6]  }
0x2d: {  	s3 =	simm.s32 $0x108;
	s8 =	sld [smem:$0x3FB7]  }
0x2e: {  	s3 =	simm.s32 @!p0 $0x1082;
	s9 =	sld [smem:$0x3FB8]  }
0x2f: {  	lr =	sadd.s32 s0, s3;
	s0 =	sld [smem:$0x3FAF]  }
0x30: {  	s3 =	sld [smem:$0x3FB2]  }
0x31: {  	[smem:$0x3FBB] =	sst s10  }
0x32: {  	s10 =	sld [smem:$0x3FB9];
	_ =	sdelay $0x3  }
0x33: {  	p0 =	seq.s32 s10, $0x1;
	s10 =	sld [smem:$0x3FBB];
	_ =	sdelay $0x3  }
0x34: {  	[smem:$0x3FBB] =	sst s10  }
0x35: {  	s10 =	sld [smem:$0x3FBA];
	_ =	sdelay $0x3  }
0x36: {  	p1 =	seq.s32 s10, $0x1;
	s10 =	sld [smem:$0x3FBB];
	_ =	sdelay $0x3  }
0x37: {  	[smem:$0x3FBB] =	sst s10  }
0x38: {  	s10 =	sld [smem:$0x3FBC]  }
0x39: {  	_ = 	snop;
	(pc) =	sbr.ind lr, $3  }
0x3a: {  	_ = 	snop  }
0x3b: {  	_ = 	snop  }
0x3c: {  	p2 =	seq.s32 s10, $0x1;
	s10 =	sld [smem:$0x3FBB]  }
0x3d: {  	_ =	shalt  }
0x3e: {  	_ =	shalt  }
0x3f: {  	_ =	shalt  }
0x40: {  	_ =	shalt  }
0x41: {  	_ =	shalt  }
0x42: {  	_ =	shalt  }
0x43: {  	_ =	shalt  }
0x44: {  	_ =	shalt  }
0x45: {  	_ =	shalt  }
0x46: {  	_ =	shalt  }
0x47: {  	_ =	shalt  }
0x48: {  	_ =	shalt  }
0x49: {  	_ =	shalt  }
0x4a: {  	_ =	shalt  }
0x4b: {  	_ =	shalt  }
0x4c: {  	_ =	shalt  }
0x4d: {  	_ =	shalt  }
0x4e: {  	_ =	shalt  }
0x4f: {  	_ =	shalt  }
0x50: {  	_ =	shalt  }
0x51: {  	_ =	shalt  }
0x52: {  	_ =	shalt  }
0x53: {  	_ =	shalt  }
0x54: {  	_ =	shalt  }
0x55: {  	_ =	shalt  }
0x56: {  	_ =	shalt  }
0x57: {  	_ =	shalt  }
0x58: {  	_ =	shalt  }
0x59: {  	_ =	shalt  }
0x5a: {  	_ =	shalt  }
0x5b: {  	_ =	shalt  }
0x5c: {  	_ =	shalt  }
0x5d: {  	_ =	shalt  }
0x5e: {  	_ =	shalt  }
0x5f: {  	_ =	shalt  }
0x60: {  	_ =	shalt  }
0x61: {  	_ =	shalt  }
0x62: {  	_ =	shalt  }
0x63: {  	_ =	shalt  }
0x64: {  	_ =	shalt  }
0x65: {  	_ =	shalt  }
0x66: {  	_ =	shalt  }
0x67: {  	_ =	shalt  }
0x68: {  	_ =	shalt  }
0x69: {  	_ =	shalt  }
0x6a: {  	_ =	shalt  }
0x6b: {  	_ =	shalt  }
0x6c: {  	_ =	shalt  }
0x6d: {  	_ =	shalt  }
0x6e: {  	_ =	shalt  }
0x6f: {  	_ =	shalt  }
0x70: {  	_ =	shalt  }
0x71: {  	_ =	shalt  }
0x72: {  	_ =	shalt  }
0x73: {  	_ =	shalt  }
0x74: {  	_ =	shalt  }
0x75: {  	_ =	shalt  }
0x76: {  	_ =	shalt  }
0x77: {  	_ =	shalt  }
0x78: {  	_ =	shalt  }
0x79: {  	_ =	shalt  }
0x7a: {  	_ =	shalt  }
0x7b: {  	_ =	shalt  }
0x7c: {  	_ =	shalt  }
0x7d: {  	_ =	shalt  }
0x7e: {  	_ =	shalt  }
0x7f: {  	_ =	shalt  }
0x80: {  	_ =	shalt  }
0x81: {  	_ =	shalt  }
0x82: {  	_ =	shalt  }
0x83: {  	_ =	shalt  }
0x84: {  	_ =	shalt  }
0x85: {  	_ =	shalt  }
0x86: {  	_ =	shalt  }
0x87: {  	_ =	shalt  }
.Lfunc_end0:
.L_simem_size_0:
called_computation_lowered:
.L_overlay_start_0:
0x88: {  	s0 =	sld [smem:$0x3FD9]  }
0x89: {  	s1 =	sld [smem:$0x3FFE];
	_ =	sdelay $0x3  }
0x8a: {  	s0 =	sadd.s32 s1, s0  }
0x8b: {  	[smem:$0x3FC7] =	sst s0  }
0x8c: {  	_ = 	snop  }
0x8d: {  	s0 =	sld [smem:$0x3FC9];
	(tm) =	ssettm $0x1  }
0x8e: {  	s16 =	sld [smem:$0x3FFB];
	_ =	sdelay $0x3  }
0x8f: {  	_ =	strace s16  }
0x90: {  	s1 =	sld [smem:$0x3FFC];
	_ =	sdelay $0x3  }
0x91: {  	_ =	strace s1  }
0x92: {  	s1 =	sld [smem:$0x3FFD];
	_ =	sdelay $0x3  }
0x93: {  	_ =	strace s1  }
0x94: {  	_ =	strace $0x8FFFFFFF  }
0x95: {  	s17 =	sld [smem:$0x3FDB];
	_ =	sdelay $0x1  }
0x96: {  	s2 =	simm.s32 $_scs_section_size  }
0x97: {  	s3 =	simm.s32 $_size__tile_overlayer_lowered;
	s4 =	simm.s32 $_tile_overlayer_lowered  }
0x98: {  	s20 =	simm.s32 $0x1BFF;
	s19 =	sshll.u32 s4, $0x1;
	s1 =	sadd.s32 s2, s17  }
0x99: {  	s5 =	simm.s32 $0x0;
	s18 =	sshll.u32 s3, $0x1;
	s3 =	sadd.s32 s19, s1  }
0x9a: {  	[timem:s5], [sflag:s20] =	dma.local [hbm:s3], s18  }
0x9b: {  	_ =	swait.ge [sflag:s20], s18  }
0x9c: {  	s2 =	ssub.s32 $0x0, s18;
	[sflag:s20] =	ssyncset.done $0x0  }
0x9d: {  	[sflag:s20] =	ssyncadd.s32 s2;
	_ =	sdelay $0x1  }
0x9e: {  	s21 =	simm.s32 $0x1B8B  }
0x9f: {  	_ =	swait.ge [sflag:s21], $0x1  }
0xa0: {  	[sflag:s21] =	ssyncset.done $0x0  }
0xa1: {  	s23 =	simm.s32 $0x1B8E;
	s22 =	sld [smem:$0x3FFE];
	[sflag:s21] =	ssyncadd.s32 $0xFFFFFFFF  }
0xa2: {  	s24 =	simm.s32 $execute0_lowered;
	[smem:$0x3FD2] =	sst s23  }
0xa3: {  	s3 =	sshll.u32 s24, $0x1;
	_ =	strace $0x80000046;
	[dreg:$0x1] =	wrdreg $0xFFFFFFFF  }
0xa4: {  	s25 =	simm.s32 $_size_execute0_lowered;
	s1 =	sadd.s32 s1, s3;
	[dreg:$0x0] =	wrdreg $0x0  }
0xa5: {  	s3 =	sshll.u32 s25, $0x1;
	[dreg:$0x2] =	wrdreg s1  }
0xa6: {  	[dreg:$0x3] =	wrdreg s3  }
0xa7: {  	[dreg:$0x4] =	wrdreg $0xC0  }
0xa8: {  	_ =	task [dreg:s5], $0x5FFFF  }
0xa9: {  	[dreg:$0x1] =	wrdreg $0xFFFFFFFF  }
0xaa: {  	[dreg:$0x0] =	wrdreg $0x60  }
0xab: {  	[dreg:$0x2] =	wrdreg s0  }
0xac: {  	[dreg:$0x3] =	wrdreg s22  }
0xad: {  	[dreg:$0x4] =	wrdreg $0x9  }
0xae: {  	_ =	task.clear_ibuf [dreg:s5], $0x5FFFF;
	_ =	strace $0x90000046  }
0xaf: {  	s26 =	simm.s32 $0x9;
	_ =	strace $0x80000048  }
0xb0: {  	_ =	swait.ge [sflag:s26], $0x1  }
0xb1: {  	[sflag:s26] =	ssyncadd.s32 $0xFFFFFFFF  }
0xb2: {  	_ =	strace $0x90000048  }
0xb3: {  	_ =	sfence  }
0xb4: {  	s28 =	sld [smem:$0x0];
	_ =	sdelay $0x1  }
0xb5: {  	s29 =	srdreg.scid  }
0xb6: {  	s30 =	sshll.u32 s29, $0xD;
	s31 =	sshrl.u32 s29, $0x2  }
0xb7: {  	s2 =	sand.u32 $0x4000, s30;
	s1 =	sand.u32 $0x1, s29;
	s0 =	sadd.s32 s31, s28  }
0xb8: {  	s1 =	sor.u32 s2, s1;
	s0 =	sshll.u32 s0, $0x11  }
0xb9: {  	s0 =	sor.u32 s0, s1  }
0xba: {  	s0 =	sadd.s32 $0x8F2B, s0  }
0xbb: {  	[sflag:s0] =	ssyncadd.remote.s32 $0x1  }
0xbc: {  	_ =	sfence.sel $0xFFFF  }
0xbd: {  	[dreg:$0x0] =	wrdreg $0xFFFFFFFF;
	(pc) =	sbr.abs _section_cstart, $3  }
0xbe: {  	[dreg:$0x1] =	wrdreg $0xFFFFFFFF  }
0xbf: {  	_ =	task.clear_ibuf [dreg:s5], $0x2FFFF;
	_ =	strace $0x9FFFFFFF  }
0xc0: {  	(tm) =	ssettm $0x7FFFFFFF  }
0xc1: {  	_ =	shalt  }
tec
execute0_lowered:
.L_overlay_start_1:
0x0: {  	(tag) =	ssettag $0x1  }
0x1: {  	s2 =	stileid.u32  }
0x2: {  	p0 =	sne.s32 s2, $0x0  }
.Ltmp0:
0x3: {  	_ = 	snop;
	(pc) =	sbr.rel @p0 .LBB2_11-.Ltmp0, $4  }
0x4: {  	_ = 	snop  }
0x5: {  	s3 =	rddreg [dreg:$0x0]  }
0x6: {  	s1 =	rddreg [dreg:$0x1]  }
0x7: {  	s0 =	rddreg [dreg:$0x2];
	_ =	strace $0x80000047  }
0x8: {  	v0 =	vimm.f32 $2.000000000e+00  }
0x9: {  	(erf) = vrcp.f32 v0;
	_ =	sdelay $0x5  }
0xa: {  	v0 =	vlaneseq.u32  }
0xb: {  	v2 =	vmul.u32 $0x1E, v0  }
0xc: {  	s2 =	simm.s32 $0x0;
	s6 =	simm.s32 $0x1  }
0xd: {  	[tilespmem:s2], [sflag:$0x1] =	stream.linear.gather [hbm4b:s3+s2], $0x600, $0x38;
	v0 =	vpop (erf);
	[tilespmem:$0x2500] =	vst v63  }
0xe: {  	_ =	swait.ge [sflag:s6], $0x600  }
0xf: {  	[sflag:s6] =	ssyncset.done $0x0  }
0x10: {  	[sflag:s6] =	ssyncadd.s32 $0xFFFFFA00  }
0x11: {  	v1 =	vld.idx.msk [tilespmem:v2+s2+$0x0], $0xffff;
	_ =	sdelay $0x4  }
0x12: {  	v1 =	vsub.f32 $0.0e+00, v1;
	_ =	sdelay $0x1  }
0x13: {  	v1 =	vmul.f32 $1.442695020e+00, v1  }
0x14: {  	v3 =	vadd.s32 $0x1E0, v2  }
0x15: {  	(erf) = vpow2.f32 v1;
	_ =	sdelay $0x3  }
0x16: {  	v1 =	vld.idx.msk [tilespmem:v3+s2+$0x0], $0xffff;
	_ =	sdelay $0x4  }
0x17: {  	v1 =	vsub.f32 $0.0e+00, v1;
	v4 =	vpop (erf)  }
0x18: {  	v4 =	vadd.f32 $1.000000000e+00, v4  }
0x19: {  	v1 =	vmul.f32 $1.442695020e+00, v1  }
0x1a: {  	(erf) = vrcp.f32 v4;
	v4 =	vadd.s32 $0x3C0, v2  }
0x1b: {  	(erf) = vpow2.f32 v1;
	_ =	sdelay $0x3  }
0x1c: {  	v1 =	vld.idx.msk [tilespmem:v4+s2+$0x0], $0xffff;
	_ =	sdelay $0x3  }
0x1d: {  	v11 =	vpop (erf)  }
0x1e: {  	v5 =	vpop (erf);
	v1 =	vsub.f32 $0.0e+00, v1  }
0x1f: {  	v5 =	vadd.f32 $1.000000000e+00, v5  }
0x20: {  	v1 =	vmul.f32 $1.442695020e+00, v1  }
0x21: {  	(erf) = vrcp.f32 v5;
	v5 =	vadd.s32 $0x5A0, v2  }
0x22: {  	(erf) = vpow2.f32 v1;
	_ =	sdelay $0x3  }
0x23: {  	v1 =	vld.idx.msk [tilespmem:v5+s2+$0x0], $0x1;
	_ =	sdelay $0x3  }
0x24: {  	v9 =	vpop (erf)  }
0x25: {  	v6 =	vpop (erf);
	v1 =	vsub.f32 $0.0e+00, v1  }
0x26: {  	v6 =	vadd.f32 $1.000000000e+00, v6  }
0x27: {  	v1 =	vmul.f32 $1.442695020e+00, v1  }
0x28: {  	(erf) = vrcp.f32 v6;
	v6 =	vadd.s32 s6, v5  }
0x29: {  	(erf) = vpow2.f32 v1;
	v1 =	vadd.s32 s6, v3;
	_ =	sdelay $0x3  }
0x2a: {  	v6 =	vld.idx.msk [tilespmem:v6+s2+$0x0], $0x1  }
0x2b: {  	v7 =	vadd.s32 s6, v2;
	v8 =	vld.idx.msk [tilespmem:v1+s2+$0x0], $0xffff  }
0x2c: {  	v10 =	vadd.s32 s6, v4  }
0x2d: {  	s4 =	simm.s32 $0x2  }
0x2e: {  	v13 =	vadd.s32 s4, v5;
	v1 =	vpop (erf)  }
0x2f: {  	v14 =	vadd.s32 s4, v3;
	v12 =	vpop (erf);
	v6 =	vsub.f32 $0.0e+00, v6  }
0x30: {  	v7 =	vld.idx.msk [tilespmem:v7+s2+$0x0], $0xffff;
	v12 =	vadd.f32 $1.000000000e+00, v12;
	v8 =	vsub.f32 $0.0e+00, v8  }
0x31: {  	v10 =	vld.idx.msk [tilespmem:v10+s2+$0x0], $0xffff;
	v6 =	vmul.f32 $1.442695020e+00, v6  }
0x32: {  	(erf) = vrcp.f32 v12;
	v8 =	vmul.f32 $1.442695020e+00, v8  }
0x33: {  	v13 =	vld.idx.msk [tilespmem:v13+s2+$0x0], $0x1;
	v12 =	vadd.s32 s4, v2;
	(erf) = vpow2.f32 v6  }
0x34: {  	(erf) = vpow2.f32 v8;
	v8 =	vld.idx.msk [tilespmem:v14+s2+$0x0], $0xffff  }
0x35: {  	v7 =	vsub.f32 $0.0e+00, v7  }
0x36: {  	s5 =	simm.s32 $0x4;
	v10 =	vsub.f32 $0.0e+00, v10;
	v6 =	vadd.s32 s4, v4  }
0x37: {  	v17 =	vadd.s32 s5, v2;
	v7 =	vmul.f32 $1.442695020e+00, v7  }
0x38: {  	s3 =	simm.s32 $0x3;
	v10 =	vmul.f32 $1.442695020e+00, v10;
	v13 =	vsub.f32 $0.0e+00, v13;
	v12 =	vld.idx.msk [tilespmem:v12+s2+$0x0], $0xffff  }
0x39: {  	(erf) = vpow2.f32 v7;
	v7 =	vadd.s32 s3, v5;
	v8 =	vsub.f32 $0.0e+00, v8  }
0x3a: {  	v13 =	vmul.f32 $1.442695020e+00, v13;
	(erf) = vpow2.f32 v10;
	v10 =	vadd.s32 s3, v3  }
0x3b: {  	v6 =	vld.idx.msk [tilespmem:v6+s2+$0x0], $0xffff;
	v8 =	vmul.f32 $1.442695020e+00, v8  }
0x3c: {  	v16 =	vadd.s32 s3, v2;
	v23 =	vld.idx.msk [tilespmem:v17+s2+$0x0], $0xffff;
	(erf) = vpow2.f32 v13;
	v14 =	vpop (erf)  }
0x3d: {  	v12 =	vsub.f32 $0.0e+00, v12;
	v15 =	vpop (erf);
	(erf) = vpow2.f32 v8;
	v8 =	vadd.s32 s3, v4  }
0x3e: {  	v7 =	vld.idx.msk [tilespmem:v7+s2+$0x0], $0x1;
	v13 =	vadd.f32 $1.000000000e+00, v15  }
0x3f: {  	v10 =	vld.idx.msk [tilespmem:v10+s2+$0x0], $0xffff;
	v15 =	vpop (erf);
	v12 =	vmul.f32 $1.442695020e+00, v12  }
0x40: {  	v6 =	vsub.f32 $0.0e+00, v6;
	v15 =	vadd.f32 $1.000000000e+00, v15;
	(erf) = vrcp.f32 v13  }
0x41: {  	v18 =	vadd.s32 s5, v3;
	v23 =	vsub.f32 $0.0e+00, v23;
	(erf) = vpow2.f32 v12;
	v12 =	vld.idx.msk [tilespmem:v16+s2+$0x0], $0xffff  }
0x42: {  	v6 =	vmul.f32 $1.442695020e+00, v6;
	(erf) = vrcp.f32 v15;
	v13 =	vpop (erf);
	v15 =	vadd.s32 s5, v5;
	v8 =	vld.idx.msk [tilespmem:v8+s2+$0x0], $0xffff  }
0x43: {  	v25 =	vadd.s32 s5, v4;
	v7 =	vsub.f32 $0.0e+00, v7;
	v13 =	vadd.f32 $1.000000000e+00, v13;
	v16 =	vpop (erf)  }
0x44: {  	s7 =	scvt.s32.f32 s6;
	s6 =	simm.s32 $0x5;
	v10 =	vsub.f32 $0.0e+00, v10;
	(erf) = vpow2.f32 v6;
	v16 =	vadd.f32 $1.000000000e+00, v16  }
0x45: {  	v22 =	vadd.s32 s6, v5;
	v7 =	vmul.f32 $1.442695020e+00, v7;
	(erf) = vrcp.f32 v13  }
0x46: {  	v10 =	vmul.f32 $1.442695020e+00, v10;
	v19 =	vpop (erf);
	v12 =	vsub.f32 $0.0e+00, v12;
	(erf) = vrcp.f32 v16  }
0x47: {  	v13 =	vpop (erf);
	v15 =	vld.idx.msk [tilespmem:v15+s2+$0x0], $0x1;
	(erf) = vpow2.f32 v7;
	v7 =	vadd.f32 $1.000000000e+00, v19;
	v8 =	vsub.f32 $0.0e+00, v8  }
0x48: {  	v6 =	vimm.f32 $0.0e+00;
	v12 =	vmul.f32 $1.442695020e+00, v12;
	(erf) = vpow2.f32 v10  }
0x49: {  	v10 =	vadd.f32 $1.000000000e+00, v13;
	v20 =	vpop (erf);
	(erf) = vrcp.f32 v7;
	v17 =	vmul.f32 $1.442695020e+00, v8  }
0x4a: {  	v16 =	vpop (erf);
	vm0 =	vgt.f32 v20, v14;
	(erf) = vpow2.f32 v12;
	v12 =	vld.idx.msk [tilespmem:v18+s2+$0x0], $0xffff;
	v18 =	vadd.s32 s6, v4  }
0x4b: {  	v16 =	vadd.f32 $1.000000000e+00, v16;
	v13 =	vpop (erf);
	v7 =	vsel vm0, s7, v6;
	(erf) = vrcp.f32 v10  }
0x4c: {  	v8 =	vmax.f32 v9, v13;
	vm0 =	vgt.f32 v13, v9;
	v24 =	vsub.f32 $0.0e+00, v15  }
0x4d: {  	v19 =	vpop (erf);
	(erf) = vpow2.f32 v17;
	v9 =	vmax.f32 v14, v20;
	v20 =	vadd.s32 s6, v2  }
0x4e: {  	v14 =	vmov v1;
	v21 =	vadd.f32 $1.000000000e+00, v19;
	v10 =	vsel vm0, s7, v6;
	v13 =	vpop (erf)  }
0x4f: {  	v15 =	vld.idx.msk [tilespmem:v25+s2+$0x0], $0xffff;
	v19 =	vadd.s32 s6, v3;
	vm0 =	vgt.f32 v13, v11;
	v17 =	vpop (erf);
	v26 =	vsub.f32 $0.0e+00, v12  }
0x50: {  	s1 =	sadd.s32 $0x400, s1;
	s8 =	simm.s32 $0x6;
	v11 =	vmax.f32 v11, v13;
	v13 =	vimm.f32 $0.0e+00;
	v12 =	vmov v8;
	v25 =	vpop (erf)  }
.LBB2_2:
0x51: {  	p1 =	sne.s32 s8, $0x13;
	v24 =	vmul.f32 $1.442695020e+00, v24;
	(erf) = vrcp.f32 v16;
	v1 =	vmax.f32 v1, v17;
	s9 =	smov.u32 s8;
	s8 =	sadd.s32 $0x1, s8  }
0x52: {  	vm1 =	vgt.f32 v17, v14;
	v16 =	vmul.f32 $1.442695020e+00, v26;
	v26 =	vpop (erf);
	(erf) = vrcp.f32 v21  }
0x53: {  	v6 =	vsel vm0, s7, v6;
	v13 =	vsel vm1, s7, v13;
	v17 =	vld.idx.msk [tilespmem:v22+s2+$0x0], $0x1;
	(erf) = vpow2.f32 v24;
	v27 =	vpop (erf)  }
0x54: {  	v28 =	vmul.f32 $1.442695020e+00, v23;
	v24 =	vsub.f32 $0.0e+00, v15;
	v15 =	vld.idx.msk [tilespmem:v18+s2+$0x0], $0xffff;
	v18 =	vadd.f32 $1.000000000e+00, v25;
	v22 =	vpop (erf)  }
0x55: {  	s7 =	scvt.s32.f32 s4;
	s4 =	smov.u32 s3;
	s3 =	smov.u32 s5;
	v23 =	vld.idx.msk [tilespmem:v20+s2+$0x0], $0xffff;
	(erf) = vpow2.f32 v16;
	v16 =	vadd.f32 $1.000000000e+00, v22;
	v20 =	vadd.f32 $1.000000000e+00, v26;
	v22 =	vpop (erf)  }
0x56: {  	s5 =	smov.u32 s6;
	s6 =	smov.u32 s9;
	vm0 =	vgt.f32 v27, v9;
	v25 =	vld.idx.msk [tilespmem:v19+s2+$0x0], $0xffff;
	v19 =	vmul.f32 $1.442695020e+00, v24;
	v21 =	vpop (erf);
	(erf) = vrcp.f32 v18  }
0x57: {  	v14 =	vmovc v1;
	v7 =	vsel vm0, s7, v7;
	v8 =	vmax.f32 v8, v22;
	(erf) = vpow2.f32 v28  }
.Ltmp1:
0x58: {  	vm0 =	vgt.f32 v22, v12;
	v21 =	vadd.f32 $1.000000000e+00, v21;
	v12 =	vmovc v8;
	(erf) = vrcp.f32 v20;
	(pc) =	sbr.rel @p1 .LBB2_2-.Ltmp1, $4  }
0x59: {  	v10 =	vsel vm0, s7, v10;
	v24 =	vsub.f32 $0.0e+00, v17;
	(erf) = vpow2.f32 v19  }
0x5a: {  	v9 =	vmax.f32 v9, v27;
	v18 =	vadd.s32 s6, v4;
	v22 =	vadd.s32 s6, v5;
	v27 =	vpop (erf)  }
0x5b: {  	v20 =	vadd.s32 s6, v2;
	v19 =	vadd.s32 s6, v3;
	vm0 =	vgt.f32 v27, v11;
	v17 =	vpop (erf)  }
0x5c: {  	v23 =	vsub.f32 $0.0e+00, v23;
	v26 =	vsub.f32 $0.0e+00, v25;
	v11 =	vmax.f32 v11, v27;
	v25 =	vpop (erf)  }
0x5d: {  	_ = 	snop  }
0x5e: {  	v2 =	vmul.f32 $1.442695020e+00, v24;
	(erf) = vrcp.f32 v16  }
0x5f: {  	(erf) = vrcp.f32 v21  }
0x60: {  	v3 =	vmul.f32 $1.442695020e+00, v26;
	(erf) = vpow2.f32 v2  }
0x61: {  	v5 =	vadd.f32 $1.000000000e+00, v25;
	v15 =	vsub.f32 $0.0e+00, v15;
	v2 =	vld.idx.msk [tilespmem:v22+s2+$0x0], $0x1  }
0x62: {  	v4 =	vpop (erf);
	(erf) = vpow2.f32 v3  }
0x63: {  	v53 =	vmul.f32 $1.442695020e+00, v23;
	v52 =	vpop (erf);
	v15 =	vmul.f32 $1.442695020e+00, v15;
	v3 =	vld.idx.msk [tilespmem:v19+s2+$0x0], $0xffff  }
0x64: {  	v20 =	vld.idx.msk [tilespmem:v20+s2+$0x0], $0xffff;
	v4 =	vadd.f32 $1.000000000e+00, v4;
	v54 =	vpop (erf);
	(erf) = vrcp.f32 v5  }
0x65: {  	v5 =	vpop (erf);
	(erf) = vpow2.f32 v53  }
0x66: {  	v18 =	vld.idx.msk [tilespmem:v18+s2+$0x0], $0xffff;
	v55 =	vadd.f32 $1.000000000e+00, v54;
	v56 =	vpop (erf);
	(erf) = vrcp.f32 v4;
	v2 =	vsub.f32 $0.0e+00, v2  }
0x67: {  	v4 =	vadd.f32 $1.000000000e+00, v56;
	(erf) = vpow2.f32 v15;
	v15 =	vpop (erf)  }
0x68: {  	v3 =	vsub.f32 $0.0e+00, v3;
	v2 =	vmul.f32 $1.442695020e+00, v2;
	(erf) = vrcp.f32 v55;
	v57 =	vpop (erf)  }
0x69: {  	v58 =	vsub.f32 $0.0e+00, v20;
	(erf) = vrcp.f32 v4;
	v59 =	vpop (erf)  }
0x6a: {  	v3 =	vmul.f32 $1.442695020e+00, v3;
	(erf) = vpow2.f32 v2;
	v2 =	vadd.f32 $1.000000000e+00, v59  }
0x6b: {  	v18 =	vsub.f32 $0.0e+00, v18;
	v4 =	vpop (erf)  }
0x6c: {  	v19 =	vmul.f32 $1.442695020e+00, v58;
	(erf) = vpow2.f32 v3;
	v3 =	vadd.f32 $1.000000000e+00, v4  }
0x6d: {  	v4 =	vmul.f32 $1.442695020e+00, v18;
	(erf) = vrcp.f32 v2  }
0x6e: {  	v2 =	vpop (erf);
	(erf) = vpow2.f32 v19  }
0x6f: {  	v60 =	vpop (erf);
	(erf) = vrcp.f32 v3  }
0x70: {  	vm1 =	vgt.f32 v17, v14;
	v3 =	vpop (erf);
	(erf) = vpow2.f32 v4  }
0x71: {  	v13 =	vsel vm1, s7, v13;
	v4 =	vpop (erf)  }
0x72: {  	v8 =	vmax.f32 v8, v5;
	vm1 =	vgt.f32 v5, v12;
	v5 =	vadd.f32 $1.000000000e+00, v60;
	v14 =	vpop (erf)  }
0x73: {  	s29 =	scvt.s32.f32 s4;
	v4 =	vadd.f32 $1.000000000e+00, v4;
	v61 =	vpop (erf)  }
0x74: {  	v1 =	vmax.f32 v1, v17;
	v6 =	vsel vm0, s7, v6;
	vm0 =	vgt.f32 v52, v9;
	v12 =	vpop (erf)  }
0x75: {  	v9 =	vmax.f32 v9, v52;
	v7 =	vsel vm0, s29, v7;
	v10 =	vsel vm1, s29, v10;
	v62 =	vpop (erf)  }
0x76: {  	vm0 =	vgt.f32 v15, v11;
	(erf) = vrcp.f32 v5;
	v12 =	vadd.f32 $1.000000000e+00, v12;
	v5 =	vpop (erf)  }
0x77: {  	v11 =	vmax.f32 v11, v15;
	(erf) = vrcp.f32 v4;
	v63 =	vadd.f32 $1.000000000e+00, v62;
	v4 =	vpop (erf)  }
0x78: {  	vm1 =	vgt.f32 v57, v1;
	(erf) = vrcp.f32 v12;
	v4 =	vadd.f32 $1.000000000e+00, v4;
	v15 =	vpop (erf)  }
0x79: {  	s3 =	scvt.s32.f32 s3;
	v6 =	vsel vm0, s29, v6;
	v12 =	vmax.f32 v1, v57;
	v1 =	vpop (erf);
	(erf) = vrcp.f32 v63  }
0x7a: {  	vm0 =	vgt.f32 v2, v9;
	v1 =	vadd.f32 $1.000000000e+00, v1;
	(erf) = vrcp.f32 v4  }
0x7b: {  	v2 =	vmax.f32 v9, v2;
	v7 =	vsel vm0, s3, v7  }
0x7c: {  	vm0 =	vgt.f32 v3, v8;
	v4 =	vsel vm1, s29, v13;
	(erf) = vrcp.f32 v1  }
0x7d: {  	v13 =	vmax.f32 v8, v3;
	v3 =	vmax.f32 v11, v14;
	vm1 =	vgt.f32 v61, v12  }
0x7e: {  	v8 =	vmax.f32 v12, v61;
	v4 =	vsel vm1, s3, v4;
	vm1 =	vgt.f32 v5, v2  }
0x7f: {  	s30 =	scvt.s32.f32 s5;
	v2 =	vmax.f32 v2, v5;
	v1 =	vsel vm0, s3, v10;
	vm0 =	vgt.f32 v14, v11;
	v9 =	vpop (erf)  }
0x80: {  	v10 =	vmax.f32 v13, v15;
	v6 =	vsel vm0, s3, v6;
	vm0 =	vgt.f32 v15, v13;
	v12 =	vpop (erf)  }
0x81: {  	s2 =	simm.s32 $0x0;
	v11 =	vsel vm0, s30, v1;
	v1 =	vlaneseq.u32;
	vm0 =	vgt.f32 v9, v3;
	v5 =	vpop (erf)  }
0x82: {  	v3 =	vmax.f32 v3, v9;
	v14 =	vor.u32 s2, v1;
	v6 =	vsel vm0, s30, v6;
	v13 =	vpop (erf)  }
0x83: {  	s31 =	scvt.s32.f32 s6;
	v9 =	vmax.f32 v8, v12;
	vm2 =	vgt.f32 v12, v8;
	v12 =	vmul.u32 $0x1E, v14;
	v8 =	vpop (erf)  }
0x84: {  	vm0 =	vlt.u32 v14, $0x31;
	v4 =	vsel vm2, s30, v4;
	vm2 =	vgt.f32 v8, v3  }
0x85: {  	v8 =	vadd.s32 $0x14, v12;
	v3 =	vsel vm2, s31, v6;
	vm2 =	vgt.f32 v13, v10;
	v6 =	vpop (erf)  }
0x86: {  	v10 =	vsel vm2, s31, v11;
	vm2 =	vgt.f32 v6, v9;
	[tilespmem:$0x880] =	vst v3;
	v3 =	vadd.s32 $0x19, v12  }
0x87: {  	v6 =	vsel vm1, s30, v7;
	vm1 =	vgt.f32 v5, v2;
	v2 =	vsel vm2, s31, v4;
	[tilespmem:$0x890] =	vst v10  }
0x88: {  	v4 =	vsel vm1, s31, v6;
	[tilespmem:$0x8A0] =	vst v2  }
0x89: {  	[tilespmem:$0x8B0] =	vst v4  }
0x8a: {  	v2 =	vld.idx.msk [tilespmem:v8+s2+$0x0], vm0  }
0x8b: {  	v3 =	vld.idx.msk [tilespmem:v3+s2+$0x0], vm0;
	_ =	sdelay $0x3  }
0x8c: {  	v2 =	vsub.f32 $0.0e+00, v2  }
0x8d: {  	v3 =	vsub.f32 $0.0e+00, v3  }
0x8e: {  	v2 =	vmul.f32 $1.442695020e+00, v2  }
0x8f: {  	v3 =	vmul.f32 $1.442695020e+00, v3  }
0x90: {  	(erf) = vpow2.f32 v2  }
0x91: {  	(erf) = vpow2.f32 v3;
	_ =	sdelay $0x7  }
0x92: {  	v2 =	vpop (erf)  }
0x93: {  	v5 =	vadd.s32 $0x1D, v12;
	v2 =	vadd.f32 $1.000000000e+00, v2;
	v4 =	vpop (erf)  }
0x94: {  	v7 =	vadd.s32 $0x1B, v12;
	v4 =	vadd.f32 $1.000000000e+00, v4  }
0x95: {  	v6 =	vadd.s32 $0x18, v12;
	(erf) = vrcp.f32 v2  }
0x96: {  	v2 =	vadd.s32 $0x1C, v12;
	(erf) = vrcp.f32 v4  }
0x97: {  	v4 =	vadd.s32 $0x17, v12  }
0x98: {  	v8 =	vadd.s32 $0x15, v12;
	v5 =	vld.idx.msk [tilespmem:v5+s2+$0x0], vm0  }
0x99: {  	v7 =	vld.idx.msk [tilespmem:v7+s2+$0x0], vm0;
	v3 =	vadd.s32 $0x1A, v12  }
0x9a: {  	v9 =	vadd.s32 $0x16, v12;
	v6 =	vld.idx.msk [tilespmem:v6+s2+$0x0], vm0  }
0x9b: {  	v2 =	vld.idx.msk [tilespmem:v2+s2+$0x0], vm0  }
0x9c: {  	v4 =	vld.idx.msk [tilespmem:v4+s2+$0x0], vm0  }
0x9d: {  	v8 =	vld.idx.msk [tilespmem:v8+s2+$0x0], vm0  }
0x9e: {  	v3 =	vld.idx.msk [tilespmem:v3+s2+$0x0], vm0;
	v10 =	vpop (erf)  }
0x9f: {  	v9 =	vld.idx.msk [tilespmem:v9+s2+$0x0], vm0;
	v11 =	vpop (erf)  }
0xa0: {  	vm0 =	vge.f32 v10, v11  }
0xa1: {  	v2 =	vsel vm0, v4, v2  }
0xa2: {  	v4 =	vsel vm0, v6, v5;
	v2 =	vsub.f32 $0.0e+00, v2  }
0xa3: {  	v3 =	vsel vm0, v8, v3;
	v4 =	vsub.f32 $0.0e+00, v4  }
0xa4: {  	v5 =	vsel vm0, v9, v7;
	v3 =	vsub.f32 $0.0e+00, v3;
	v2 =	vmul.f32 $1.442695020e+00, v2  }
0xa5: {  	v5 =	vsub.f32 $0.0e+00, v5;
	v4 =	vmul.f32 $1.442695020e+00, v4  }
0xa6: {  	v3 =	vmul.f32 $1.442695020e+00, v3;
	(erf) = vpow2.f32 v2  }
0xa7: {  	v2 =	vmul.f32 $1.442695020e+00, v5;
	(erf) = vpow2.f32 v4  }
0xa8: {  	(erf) = vpow2.f32 v3  }
0xa9: {  	(erf) = vpow2.f32 v2;
	_ =	sdelay $0x5  }
0xaa: {  	v2 =	vpop (erf)  }
0xab: {  	v3 =	vmulhi.u32 $0x24924925, v14;
	v2 =	vadd.f32 $1.000000000e+00, v2;
	v4 =	vpop (erf)  }
0xac: {  	v4 =	vadd.f32 $1.000000000e+00, v4;
	v5 =	vpop (erf)  }
0xad: {  	v6 =	vsub.s32 v14, v3;
	v5 =	vadd.f32 $1.000000000e+00, v5;
	v7 =	vpop (erf);
	(erf) = vrcp.f32 v2  }
0xae: {  	v2 =	vshrl.u32 v6, $0x1;
	v6 =	vadd.f32 $1.000000000e+00, v7;
	(erf) = vrcp.f32 v4  }
0xaf: {  	v2 =	vadd.s32 v3, v2;
	(erf) = vrcp.f32 v5  }
0xb0: {  	v2 =	vshrl.u32 v2, $0x2;
	(erf) = vrcp.f32 v6  }
0xb1: {  	v3 =	vmul.u32 $0xFFFFFFF9, v2;
	_ =	sdelay $0x1  }
0xb2: {  	v4 =	vmov s2;
	v5 =	vadd.s32 v14, v3  }
0xb3: {  	vm2 =	veq.s32 v4, v1;
	vm1 =	vne.s32 v5, $0x0  }
0xb4: {  	v3 =	vimm.s32 $0x0;
	vm1 =	vmand vm2, vm1  }
0xb5: {  	v4 =	vsel vm1, $0xFFFFFFFF, v3;
	v6 =	vpop (erf)  }
0xb6: {  	v5 =	vcvt.s32.f32 v5;
	v4 =	vadd.s32 v4, v2;
	v6 =	vmul.f32 $7.000000000e+00, v6;
	v7 =	vpop (erf)  }
0xb7: {  	s5 =	simm.s32 $0x780;
	v9 =	vsel vm0, v10, v11;
	v4 =	vcvt.s32.f32 v4;
	v7 =	vmul.f32 $7.000000000e+00, v7;
	v8 =	vpop (erf)  }
0xb8: {  	[tilespmem:s5+$0xC0] =	vst v9;
	v2 =	vimm.f32 $0.0e+00;
	v5 =	vadd.f32 v5, v8;
	v6 =	vmul.f32 $6.400000000e+01, v6;
	v8 =	vpop (erf)  }
0xb9: {  	[tilespmem:s5+$0x140] =	vst v2;
	v8 =	vadd.f32 v4, v8;
	v7 =	vmul.f32 $6.400000000e+01, v7  }
0xba: {  	s3 =	simm.s32 $0x10;
	v9 =	vmul.f32 $6.400000000e+01, v5;
	v10 =	vmul.f32 v6, v0;
	[tilespmem:s5+$0x40] =	vst v6  }
0xbb: {  	v4 =	vor.u32 s3, v1;
	v6 =	vmul.f32 $6.400000000e+01, v8;
	v8 =	vmul.f32 v7, v0;
	[tilespmem:s5+$0x80] =	vst v7  }
0xbc: {  	v5 =	vmul.u32 $0x1E, v4;
	v11 =	vsub.f32 v9, v10;
	v12 =	vadd.f32 v10, v9;
	[tilespmem:s5+$0xFFFFFFC0] =	vst v9  }
0xbd: {  	v10 =	vsub.f32 v6, v8;
	v9 =	vadd.f32 v8, v6;
	[tilespmem:s5+$0x0] =	vst v6  }
0xbe: {  	vm0 =	vlt.u32 v4, $0x31;
	v7 =	vadd.s32 $0x19, v5;
	v8 =	vadd.s32 $0x14, v5;
	[tilespmem:s5+$0xFFFFFE80] =	vst v11  }
0xbf: {  	s6 =	simm.s32 $0x20;
	s4 =	simm.s32 $0x780;
	v6 =	vmulhi.u32 $0x24924925, v4;
	v11 =	vsub.f32 v12, v11;
	[tilespmem:s5+$0xFFFFFF00] =	vst v12;
	v12 =	vsub.f32 v9, v10  }
.LBB2_4:
0xc0: {  	p1 =	sne.s32 s6, $0x30  }
0xc1: {  	[tilespmem:s5+$0xFFFFFEC0] =	vst v10;
	s4 =	sadd.s32 $0x10, s4;
	s7 =	smov.u32 s6;
	s6 =	sadd.s32 $0x10, s6  }
0xc2: {  	v10 =	vsub.s32 v4, v6;
	[tilespmem:s5+$0xFFFFFF40] =	vst v9;
	v9 =	vmul.f32 v12, v11  }
0xc3: {  	v10 =	vshrl.u32 v10, $0x1  }
0xc4: {  	v6 =	vadd.s32 v6, v10;
	[tilespmem:s5+$0xFFFFFF80] =	vst v9;
	s5 =	smov.u32 s4  }
0xc5: {  	v8 =	vld.idx.msk [tilespmem:v8+s2+$0x0], vm0;
	v6 =	vshrl.u32 v6, $0x2  }
0xc6: {  	v7 =	vld.idx.msk [tilespmem:v7+s2+$0x0], vm0;
	v9 =	vmul.u32 $0xFFFFFFF9, v6;
	_ =	sdelay $0x1  }
0xc7: {  	v10 =	vmov s3;
	s3 =	smov.u32 s7;
	v4 =	vadd.s32 v4, v9  }
0xc8: {  	vm2 =	veq.s32 v10, v1;
	vm1 =	vne.s32 v4, $0x0  }
0xc9: {  	vm1 =	vmand vm2, vm1  }
0xca: {  	v8 =	vsub.f32 $0.0e+00, v8;
	v9 =	vsel vm1, $0xFFFFFFFF, v3  }
0xcb: {  	v7 =	vsub.f32 $0.0e+00, v7;
	v6 =	vadd.s32 v9, v6  }
0xcc: {  	v8 =	vmul.f32 $1.442695020e+00, v8  }
0xcd: {  	v7 =	vmul.f32 $1.442695020e+00, v7  }
0xce: {  	(erf) = vpow2.f32 v8  }
0xcf: {  	(erf) = vpow2.f32 v7;
	_ =	sdelay $0x5  }
0xd0: {  	v7 =	vadd.s32 $0x1A, v5  }
0xd1: {  	v8 =	vadd.s32 $0x1D, v5  }
0xd2: {  	v9 =	vadd.s32 $0x18, v5;
	v10 =	vpop (erf)  }
0xd3: {  	v11 =	vadd.s32 $0x1C, v5;
	v10 =	vadd.f32 $1.000000000e+00, v10;
	v12 =	vpop (erf)  }
0xd4: {  	v13 =	vadd.s32 $0x17, v5;
	v12 =	vadd.f32 $1.000000000e+00, v12  }
0xd5: {  	v14 =	vadd.s32 $0x1B, v5;
	v7 =	vld.idx.msk [tilespmem:v7+s2+$0x0], vm0;
	(erf) = vrcp.f32 v10  }
0xd6: {  	v10 =	vadd.s32 $0x16, v5;
	v8 =	vld.idx.msk [tilespmem:v8+s2+$0x0], vm0;
	(erf) = vrcp.f32 v12  }
0xd7: {  	v5 =	vadd.s32 $0x15, v5;
	v9 =	vld.idx.msk [tilespmem:v9+s2+$0x0], vm0  }
0xd8: {  	v11 =	vld.idx.msk [tilespmem:v11+s2+$0x0], vm0  }
0xd9: {  	v12 =	vld.idx.msk [tilespmem:v13+s2+$0x0], vm0  }
0xda: {  	v13 =	vld.idx.msk [tilespmem:v14+s2+$0x0], vm0  }
0xdb: {  	v10 =	vld.idx.msk [tilespmem:v10+s2+$0x0], vm0  }
0xdc: {  	v5 =	vld.idx.msk [tilespmem:v5+s2+$0x0], vm0  }
0xdd: {  	[tilespmem:s4+$0x140] =	vst v2  }
0xde: {  	v14 =	vpop (erf)  }
0xdf: {  	v15 =	vpop (erf)  }
0xe0: {  	vm0 =	vge.f32 v14, v15  }
0xe1: {  	v10 =	vsel vm0, v10, v13;
	v11 =	vsel vm0, v12, v11;
	v8 =	vsel vm0, v9, v8  }
0xe2: {  	v5 =	vsel vm0, v5, v7;
	v7 =	vsub.f32 $0.0e+00, v11;
	v8 =	vsub.f32 $0.0e+00, v8  }
0xe3: {  	v9 =	vsel vm0, v14, v15;
	v5 =	vsub.f32 $0.0e+00, v5;
	v10 =	vsub.f32 $0.0e+00, v10  }
0xe4: {  	v7 =	vmul.f32 $1.442695020e+00, v7;
	v8 =	vmul.f32 $1.442695020e+00, v8;
	[tilespmem:s4+$0xC0] =	vst v9  }
0xe5: {  	v5 =	vmul.f32 $1.442695020e+00, v5;
	v9 =	vmul.f32 $1.442695020e+00, v10  }
0xe6: {  	(erf) = vpow2.f32 v7  }
0xe7: {  	(erf) = vpow2.f32 v8  }
0xe8: {  	(erf) = vpow2.f32 v5  }
0xe9: {  	(erf) = vpow2.f32 v9;
	_ =	sdelay $0x5  }
0xea: {  	v5 =	vpop (erf)  }
0xeb: {  	v5 =	vadd.f32 $1.000000000e+00, v5;
	v7 =	vpop (erf)  }
0xec: {  	v7 =	vadd.f32 $1.000000000e+00, v7;
	v8 =	vpop (erf)  }
0xed: {  	v8 =	vadd.f32 $1.000000000e+00, v8;
	v9 =	vpop (erf);
	(erf) = vrcp.f32 v5  }
0xee: {  	v5 =	vadd.f32 $1.000000000e+00, v9;
	(erf) = vrcp.f32 v7  }
0xef: {  	(erf) = vrcp.f32 v8  }
0xf0: {  	(erf) = vrcp.f32 v5;
	_ =	sdelay $0x5  }
0xf1: {  	v5 =	vpop (erf)  }
0xf2: {  	v4 =	vcvt.s32.f32 v4;
	v5 =	vmul.f32 $7.000000000e+00, v5;
	v7 =	vpop (erf)  }
0xf3: {  	v6 =	vcvt.s32.f32 v6;
	v7 =	vmul.f32 $7.000000000e+00, v7;
	v8 =	vpop (erf)  }
0xf4: {  	v4 =	vadd.f32 v4, v8;
	v5 =	vmul.f32 $6.400000000e+01, v5;
	v8 =	vpop (erf)  }
0xf5: {  	v6 =	vadd.f32 v6, v8;
	v7 =	vmul.f32 $6.400000000e+01, v7  }
0xf6: {  	v8 =	vmul.f32 $6.400000000e+01, v4;
	v9 =	vmul.f32 v5, v0;
	[tilespmem:s4+$0x40] =	vst v5  }
.Ltmp2:
0xf7: {  	v4 =	vor.u32 s3, v1;
	v6 =	vmul.f32 $6.400000000e+01, v6;
	v11 =	vmul.f32 v7, v0;
	[tilespmem:s4+$0x80] =	vst v7;
	(pc) =	sbr.rel @p1 .LBB2_4-.Ltmp2, $4  }
0xf8: {  	v5 =	vmul.u32 $0x1E, v4;
	v12 =	vsub.f32 v8, v9;
	v13 =	vadd.f32 v9, v8;
	[tilespmem:s4+$0xFFFFFFC0] =	vst v8  }
0xf9: {  	vm0 =	vlt.u32 v4, $0x31;
	v10 =	vsub.f32 v6, v11;
	v9 =	vadd.f32 v11, v6;
	[tilespmem:s4+$0x0] =	vst v6  }
0xfa: {  	v8 =	vadd.s32 $0x14, v5;
	v7 =	vadd.s32 $0x19, v5;
	[tilespmem:s4+$0xFFFFFE80] =	vst v12;
	v11 =	vsub.f32 v13, v12  }
0xfb: {  	v6 =	vmulhi.u32 $0x24924925, v4;
	[tilespmem:s4+$0xFFFFFF00] =	vst v13;
	v12 =	vsub.f32 v9, v10  }
0xfc: {  	_ =	sdelay $0x1  }
0xfd: {  	[tilespmem:s5+$0xFFFFFEC0] =	vst v10;
	v10 =	vmul.f32 v12, v11  }
0xfe: {  	[tilespmem:s5+$0xFFFFFF40] =	vst v9  }
0xff: {  	[tilespmem:s5+$0xFFFFFF80] =	vst v10  }
0x100: {  	v8 =	vld.idx.msk [tilespmem:v8+s2+$0x0], vm0  }
0x101: {  	v7 =	vld.idx.msk [tilespmem:v7+s2+$0x0], vm0;
	_ =	sdelay $0x3  }
0x102: {  	v8 =	vsub.f32 $0.0e+00, v8  }
0x103: {  	v7 =	vsub.f32 $0.0e+00, v7  }
0x104: {  	v8 =	vmul.f32 $1.442695020e+00, v8  }
0x105: {  	v7 =	vmul.f32 $1.442695020e+00, v7  }
0x106: {  	(erf) = vpow2.f32 v8  }
0x107: {  	(erf) = vpow2.f32 v7;
	_ =	sdelay $0x7  }
0x108: {  	v7 =	vpop (erf)  }
0x109: {  	v13 =	vadd.s32 $0x15, v5;
	v7 =	vadd.f32 $1.000000000e+00, v7;
	v9 =	vpop (erf)  }
0x10a: {  	v11 =	vadd.s32 $0x18, v5;
	v9 =	vadd.f32 $1.000000000e+00, v9  }
0x10b: {  	v12 =	vadd.s32 $0x1B, v5;
	(erf) = vrcp.f32 v7  }
0x10c: {  	v7 =	vadd.s32 $0x1C, v5;
	(erf) = vrcp.f32 v9  }
0x10d: {  	v9 =	vadd.s32 $0x17, v5  }
0x10e: {  	v10 =	vadd.s32 $0x1D, v5;
	v13 =	vld.idx.msk [tilespmem:v13+s2+$0x0], vm0  }
0x10f: {  	v11 =	vld.idx.msk [tilespmem:v11+s2+$0x0], vm0;
	v8 =	vadd.s32 $0x1A, v5  }
0x110: {  	v12 =	vld.idx.msk [tilespmem:v12+s2+$0x0], vm0;
	v5 =	vadd.s32 $0x16, v5  }
0x111: {  	v7 =	vld.idx.msk [tilespmem:v7+s2+$0x0], vm0  }
0x112: {  	v9 =	vld.idx.msk [tilespmem:v9+s2+$0x0], vm0  }
0x113: {  	v10 =	vld.idx.msk [tilespmem:v10+s2+$0x0], vm0  }
0x114: {  	v8 =	vld.idx.msk [tilespmem:v8+s2+$0x0], vm0;
	v14 =	vpop (erf)  }
0x115: {  	v5 =	vld.idx.msk [tilespmem:v5+s2+$0x0], vm0;
	v15 =	vpop (erf)  }
0x116: {  	vm12 =	vge.f32 v14, v15  }
0x117: {  	v7 =	vsel vm12, v9, v7  }
0x118: {  	v9 =	vsel vm12, v11, v10;
	v7 =	vsub.f32 $0.0e+00, v7  }
0x119: {  	v8 =	vsel vm12, v13, v8;
	v9 =	vsub.f32 $0.0e+00, v9  }
0x11a: {  	v5 =	vsel vm12, v5, v12;
	v8 =	vsub.f32 $0.0e+00, v8;
	v7 =	vmul.f32 $1.442695020e+00, v7  }
0x11b: {  	v5 =	vsub.f32 $0.0e+00, v5;
	v9 =	vmul.f32 $1.442695020e+00, v9  }
0x11c: {  	v8 =	vmul.f32 $1.442695020e+00, v8;
	(erf) = vpow2.f32 v7  }
0x11d: {  	v5 =	vmul.f32 $1.442695020e+00, v5;
	(erf) = vpow2.f32 v9  }
0x11e: {  	(erf) = vpow2.f32 v8  }
0x11f: {  	(erf) = vpow2.f32 v5;
	_ =	sdelay $0x5  }
0x120: {  	v5 =	vpop (erf)  }
0x121: {  	v5 =	vadd.f32 $1.000000000e+00, v5;
	v7 =	vpop (erf)  }
0x122: {  	v7 =	vadd.f32 $1.000000000e+00, v7;
	v8 =	vpop (erf)  }
0x123: {  	v9 =	vsub.s32 v4, v6;
	v8 =	vadd.f32 $1.000000000e+00, v8;
	v10 =	vpop (erf);
	(erf) = vrcp.f32 v5  }
0x124: {  	v5 =	vshrl.u32 v9, $0x1;
	v9 =	vadd.f32 $1.000000000e+00, v10;
	(erf) = vrcp.f32 v7  }
0x125: {  	v5 =	vadd.s32 v6, v5;
	(erf) = vrcp.f32 v8  }
0x126: {  	v5 =	vshrl.u32 v5, $0x2;
	(erf) = vrcp.f32 v9  }
0x127: {  	v6 =	vmul.u32 $0xFFFFFFF9, v5;
	_ =	sdelay $0x1  }
0x128: {  	v7 =	vmov s3;
	v4 =	vadd.s32 v4, v6  }
0x129: {  	vm2 =	veq.s32 v7, v1;
	vm1 =	vne.s32 v4, $0x0  }
0x12a: {  	vm1 =	vmand vm2, vm1  }
0x12b: {  	v1 =	vsel vm1, $0xFFFFFFFF, v3;
	v3 =	vpop (erf)  }
0x12c: {  	v4 =	vcvt.s32.f32 v4;
	v1 =	vadd.s32 v1, v5;
	v3 =	vmul.f32 $7.000000000e+00, v3;
	v5 =	vpop (erf)  }
0x12d: {  	v1 =	vcvt.s32.f32 v1;
	v5 =	vmul.f32 $7.000000000e+00, v5;
	v6 =	vpop (erf)  }
0x12e: {  	s30 =	sadd.s32 $0x10, s4;
	v4 =	vadd.f32 v4, v6;
	v3 =	vmul.f32 $6.400000000e+01, v3;
	v6 =	vpop (erf)  }
0x12f: {  	[tilespmem:s30+$0x140] =	vst v2;
	v2 =	vsel vm12, v14, v15;
	v1 =	vadd.f32 v1, v6;
	v5 =	vmul.f32 $6.400000000e+01, v5  }
0x130: {  	[tilespmem:s30+$0xC0] =	vst v2;
	v2 =	vmul.f32 $6.400000000e+01, v4;
	v4 =	vmul.f32 v3, v0  }
0x131: {  	[tilespmem:s30+$0x40] =	vst v3;
	v1 =	vmul.f32 $6.400000000e+01, v1;
	v0 =	vmul.f32 v5, v0  }
0x132: {  	[tilespmem:s30+$0x80] =	vst v5;
	v3 =	vsub.f32 v2, v4;
	v4 =	vadd.f32 v4, v2  }
0x133: {  	[tilespmem:s30+$0xFFFFFFC0] =	vst v2;
	v2 =	vsub.f32 v1, v0;
	v0 =	vadd.f32 v0, v1  }
0x134: {  	[tilespmem:s30+$0x0] =	vst v1  }
0x135: {  	[tilespmem:s30+$0xFFFFFE80] =	vst v3;
	v1 =	vsub.f32 v4, v3;
	v3 =	vsub.f32 v0, v2  }
0x136: {  	[tilespmem:s30+$0xFFFFFF00] =	vst v4  }
0x137: {  	[tilespmem:s30+$0xFFFFFEC0] =	vst v2;
	v1 =	vmul.f32 v3, v1  }
0x138: {  	[tilespmem:s30+$0xFFFFFF40] =	vst v0  }
0x139: {  	[tilespmem:s30+$0xFFFFFF80] =	vst v1  }
0x13a: {  	v0 =	vld [tilespmem:$0x840]  }
0x13b: {  	v4 =	vld [tilespmem:$0x870]  }
0x13c: {  	v1 =	vld [tilespmem:$0x850];
	_ =	sdelay $0x1  }
0x13d: {  	v2 =	vld [tilespmem:$0x860]  }
0x13e: {  	vm13 =	vmmov $0x1;
	v3 =	vadd.s32 $0xC1000000, v0;
	v0 =	vlaneseq.u32  }
0x13f: {  	v4 =	vadd.s32 $0xC1000000, v4;
	v5 =	vshra.s32 v3, $0x1F;
	v6 =	vmul.u32 $0xFFFFFFFF, v0  }
0x140: {  	v8 =	vshra.s32 v4, $0x1F;
	v3 =	vor.u32 v5, v3;
	v5 =	vadd.s32 $0xC1000000, v1  }
0x141: {  	v1 =	vshll.u32 v3, $0x6;
	v3 =	vadd.s32 $0x3F, v6;
	v7 =	vshra.s32 v5, $0x1F  }
0x142: {  	v1 =	vor.u32 v3, v1;
	v3 =	vor.u32 v7, v5;
	v5 =	vadd.s32 $0xC1000000, v2  }
0x143: {  	v2 =	vadd.s32 $0x2F, v6;
	v3 =	vshll.u32 v3, $0x6;
	v7 =	vshra.s32 v5, $0x1F  }
0x144: {  	v4 =	vor.u32 v8, v4;
	v2 =	vor.u32 v2, v3;
	v3 =	vor.u32 v7, v5  }
0x145: {  	v4 =	vshll.u32 v4, $0x6;
	v5 =	vadd.s32 $0x1F, v6;
	v3 =	vshll.u32 v3, $0x6  }
0x146: {  	v6 =	vimm.s32 $0x67452301;
	v3 =	vor.u32 v5, v3;
	v5 =	vimm.s32 $0xEFCDAB89  }
0x147: {  	v4 =	vor.u32 $0xF, v4;
	v6 =	vunpack.c.l.s4.s8 v6;
	v5 =	vunpack.c.l.s4.s8 v5  }
0x148: {  	v4 =	vnsel vm13, $0xFFFFFFFF, v4;
	vm14 =	vgt.s32 v1, v2  }
0x149: {  	vm15 =	vgt.s32 v3, v4;
	v6 =	vunpack.c.0.s8.s32 v6;
	v5 =	vunpack.c.0.s8.s32 v5  }
0x14a: {  	v9 =	vimm.s32 $0x54761032;
	v7 =	vsel vm14, v1, v2;
	v8 =	vsel vm15, v3, v4  }
0x14b: {  	vm0 =	vgt.s32 v7, v8;
	v5 =	vcombine.low v6, v5;
	v6 =	vimm.s32 $0xDCFE98BA  }
0x14c: {  	v7 =	vsel vm0, v7, v8;
	v8 =	vunpack.c.l.s4.s8 v9;
	v6 =	vunpack.c.l.s4.s8 v6;
	_ =	sdelay $0x1  }
0x14d: {  	v8 =	vunpack.c.0.s8.s32 v8;
	v9 =	vperm.xlane v7, v5;
	v6 =	vunpack.c.0.s8.s32 v6  }
0x14e: {  	v10 =	vimm.s32 $0x32107654  }
0x14f: {  	vm0 =	vgt.s32 v7, v9;
	v6 =	vcombine.low v8, v6;
	v8 =	vimm.s32 $0xBA98FEDC  }
0x150: {  	v9 =	vsel vm0, v7, v9;
	v7 =	vunpack.c.l.s4.s8 v8;
	v8 =	vunpack.c.l.s4.s8 v10  }
0x151: {  	v11 =	vimm.s32 $0xFEDCBA98  }
0x152: {  	v10 =	vperm.xlane v9, v6;
	v7 =	vunpack.c.0.s8.s32 v7;
	v8 =	vunpack.c.0.s8.s32 v8  }
0x153: {  	v12 =	vimm.s32 $0x76543210;
	v11 =	vunpack.c.l.s4.s8 v11  }
0x154: {  	vm0 =	vgt.s32 v9, v10;
	v7 =	vcombine.low v8, v7;
	v8 =	vunpack.c.l.s4.s8 v12  }
0x155: {  	v9 =	vsel vm0, v9, v10;
	v10 =	vunpack.c.0.s8.s32 v11  }
0x156: {  	v11 =	vperm.xlane v9, v7;
	v8 =	vunpack.c.0.s8.s32 v8  }
0x157: {  	v10 =	vand.u32 $0xF, v10  }
0x158: {  	vm0 =	vgt.s32 v9, v11;
	v8 =	vcombine.low v10, v8  }
0x159: {  	v11 =	vsel vm0, v9, v11  }
0x15a: {  	v12 =	vperm.xlane v11, v8;
	_ =	sdelay $0x1  }
0x15b: {  	vm0 =	vgt.s32 v11, v12  }
0x15c: {  	v30 =	vsel vm0, v11, v12  }
0x15d: {  	(v2sf) =	vpush v30, $0x0;
	_ =	sdelay $0x1  }
0x15e: {  	v13 =	vld [tilespmem:$0x700]  }
0x15f: {  	v14 =	vld [tilespmem:$0x610]  }
0x160: {  	v15 =	vld [tilespmem:$0x650]  }
0x161: {  	v16 =	vld [tilespmem:$0x690]  }
0x162: {  	v17 =	vld [tilespmem:$0x6D0]  }
0x163: {  	v18 =	vld [tilespmem:$0x710]  }
0x164: {  	v19 =	vld [tilespmem:$0x620]  }
0x165: {  	v20 =	vld [tilespmem:$0x660]  }
0x166: {  	v21 =	vld [tilespmem:$0x6A0]  }
0x167: {  	v22 =	vld [tilespmem:$0x6E0]  }
0x168: {  	v23 =	vld [tilespmem:$0x720]  }
0x169: {  	v24 =	vld [tilespmem:$0x630]  }
0x16a: {  	v25 =	vld [tilespmem:$0x670]  }
0x16b: {  	v26 =	vld [tilespmem:$0x6B0];
	s31 =	spop (v2sf)  }
0x16c: {  	v27 =	vld [tilespmem:$0x6F0];
	p1 =	slt.s32 s31, $0x40  }
.Ltmp3:
0x16d: {  	v28 =	vld [tilespmem:$0x730];
	(pc) =	sbr.rel @p1 .LBB2_8-.Ltmp3, $4  }
0x16e: {  	v10 =	vld [tilespmem:$0x640]  }
0x16f: {  	v9 =	vld [tilespmem:$0x600]  }
0x170: {  	v11 =	vld [tilespmem:$0x680]  }
0x171: {  	v12 =	vld [tilespmem:$0x6C0]  }
0x172: {  	v29 =	vimm.f32 $1.000000000e+00;
	s2 =	simm.s32 $0x600  }
.LBB2_7:
0x173: {  	v31 =	vand.u32 $0x3F, v30  }
0x174: {  	v32 =	vxor.u32 $0x2FF, v31  }
0x175: {  	v33 =	vxor.u32 $0x3F, v31  }
0x176: {  	v34 =	vxor.u32 $0x7F, v31  }
0x177: {  	v35 =	vxor.u32 $0xBF, v31  }
0x178: {  	v36 =	vxor.u32 $0xFF, v31  }
0x179: {  	v31 =	vxor.u32 $0x13F, v31;
	[tilespmem:v32+s2+$0x0] =	vst.idx.msk $0x1, v29  }
0x17a: {  	v32 =	vld.idx.msk [tilespmem:v33+s2+$0x0], $0xffff  }
0x17b: {  	v61 =	vld.idx.msk [tilespmem:v34+s2+$0x0], $0xffff  }
0x17c: {  	v62 =	vld.idx.msk [tilespmem:v35+s2+$0x0], $0xffff  }
0x17d: {  	v63 =	vld.idx.msk [tilespmem:v36+s2+$0x0], $0xffff  }
0x17e: {  	v31 =	vld.idx.msk [tilespmem:v31+s2+$0x0], $0xffff;
	_ =	sdelay $0x2  }
0x17f: {  	v44 =	vmax.f32 v9, v32  }
0x180: {  	v37 =	vmax.f32 v10, v61;
	v38 =	vmin.f32 v11, v62;
	v39 =	vmin.f32 v12, v63  }
0x181: {  	v45 =	vadd.f32 v31, v13;
	v46 =	vmax.f32 v14, v32;
	v47 =	vmax.f32 v15, v61  }
0x182: {  	v40 =	vmin.f32 v16, v62;
	v41 =	vmin.f32 v17, v63;
	v48 =	vmax.f32 v19, v32  }
0x183: {  	v49 =	vmax.f32 v20, v61;
	v42 =	vmin.f32 v21, v62;
	v43 =	vmin.f32 v22, v63  }
0x184: {  	v32 =	vmax.f32 v24, v32;
	v56 =	vadd.f32 v31, v18;
	v57 =	vadd.f32 v31, v23  }
0x185: {  	v34 =	vmin.f32 v26, v62;
	v31 =	vadd.f32 v31, v28;
	v36 =	vsub.f32 v38, v44  }
0x186: {  	v33 =	vmax.f32 v25, v61;
	v37 =	vsub.f32 v39, v37;
	v38 =	vsub.f32 v40, v46  }
0x187: {  	v50 =	vmin.f32 v27, v63;
	v39 =	vsub.f32 v41, v47;
	v40 =	vsub.f32 v42, v48  }
0x188: {  	v41 =	vsub.f32 v43, v49;
	v36 =	vmax.f32 v36, $0.0e+00;
	v37 =	vmax.f32 v37, $0.0e+00  }
0x189: {  	v32 =	vsub.f32 v34, v32;
	v33 =	vsub.f32 v50, v33;
	v36 =	vmul.f32 v37, v36  }
0x18a: {  	v52 =	vmax.f32 v38, $0.0e+00;
	v53 =	vmax.f32 v39, $0.0e+00;
	v54 =	vmax.f32 v40, $0.0e+00  }
0x18b: {  	v55 =	vmax.f32 v41, $0.0e+00;
	v35 =	vmul.f32 v53, v52;
	v37 =	vsub.f32 v45, v36  }
0x18c: {  	v32 =	vmax.f32 v32, $0.0e+00;
	v33 =	vmax.f32 v33, $0.0e+00;
	v38 =	vmul.f32 v55, v54  }
0x18d: {  	v32 =	vmul.f32 v33, v32;
	v51 =	vadd.f32 $9.999999710e-10, v37;
	v37 =	vsub.f32 v56, v35  }
0x18e: {  	v58 =	vsub.f32 v57, v38  }
0x18f: {  	v31 =	vsub.f32 v31, v32;
	v59 =	vadd.f32 $9.999999710e-10, v37  }
0x190: {  	v33 =	vadd.f32 $9.999999710e-10, v58;
	(erf) = vrcp.f32 v51  }
0x191: {  	v31 =	vadd.f32 $9.999999710e-10, v31;
	(erf) = vrcp.f32 v59  }
0x192: {  	(erf) = vrcp.f32 v33  }
0x193: {  	(erf) = vrcp.f32 v31;
	_ =	sdelay $0x5  }
0x194: {  	v31 =	vpop (erf)  }
0x195: {  	v31 =	vmul.f32 v31, v36;
	v60 =	vpop (erf)  }
0x196: {  	vm1 =	veq.s32 v1, v30;
	v61 =	vpop (erf)  }
0x197: {  	vm13 =	veq.s32 v2, v30;
	vm0 =	vgt.f32 v31, $5.000000000e-01;
	v31 =	vmul.f32 v60, v35;
	v63 =	vpop (erf)  }
0x198: {  	vm0 =	vmor vm1, vm0;
	v62 =	vmul.f32 v61, v38;
	v32 =	vmul.f32 v63, v32  }
0x199: {  	vm3 =	veq.s32 v3, v30;
	vm5 =	veq.s32 v4, v30;
	v1 =	vsel vm0, $0xFFFFFFFF, v1  }
0x19a: {  	vm12 =	vgt.f32 v31, $5.000000000e-01;
	vm2 =	vgt.f32 v62, $5.000000000e-01;
	vm4 =	vgt.f32 v32, $5.000000000e-01  }
0x19b: {  	vm0 =	vmor vm13, vm12;
	vm14 =	vmor vm3, vm2;
	vm15 =	vmor vm5, vm4  }
0x19c: {  	v2 =	vsel vm0, $0xFFFFFFFF, v2;
	v3 =	vsel vm14, $0xFFFFFFFF, v3;
	v4 =	vsel vm15, $0xFFFFFFFF, v4  }
0x19d: {  	vm0 =	vgt.s32 v1, v2;
	vm1 =	vgt.s32 v3, v4  }
0x19e: {  	v30 =	vsel vm0, v1, v2;
	v31 =	vsel vm1, v3, v4  }
0x19f: {  	vm0 =	vgt.s32 v30, v31  }
0x1a0: {  	v30 =	vsel vm0, v30, v31  }
0x1a1: {  	v31 =	vperm.xlane v30, v5;
	_ =	sdelay $0x1  }
0x1a2: {  	vm0 =	vgt.s32 v30, v31  }
0x1a3: {  	v30 =	vsel vm0, v30, v31  }
0x1a4: {  	v31 =	vperm.xlane v30, v6;
	_ =	sdelay $0x1  }
0x1a5: {  	vm0 =	vgt.s32 v30, v31  }
0x1a6: {  	v30 =	vsel vm0, v30, v31  }
0x1a7: {  	v31 =	vperm.xlane v30, v7;
	_ =	sdelay $0x1  }
0x1a8: {  	vm0 =	vgt.s32 v30, v31  }
0x1a9: {  	v30 =	vsel vm0, v30, v31  }
0x1aa: {  	v31 =	vperm.xlane v30, v8;
	_ =	sdelay $0x1  }
0x1ab: {  	vm0 =	vgt.s32 v30, v31  }
0x1ac: {  	v30 =	vsel vm0, v30, v31  }
0x1ad: {  	(v2sf) =	vpush v30, $0x0;
	_ =	sdelay $0xe  }
0x1ae: {  	s3 =	spop (v2sf)  }
0x1af: {  	p1 =	sgt.s32 s3, $0x3F  }
.Ltmp4:
0x1b0: {  	_ = 	snop;
	(pc) =	sbr.rel @p1 .LBB2_7-.Ltmp4, $1  }
0x1b1: {  	_ =	sdelay $0x3  }
.LBB2_8:
0x1b2: {  	s2 =	simm.s32 $0x780  }
0x1b3: {  	s3 =	simm.s32 $0x0;
	v1 =	vld [tilespmem:s2+$0xFFFFFFC0]  }
0x1b4: {  	v2 =	vor.u32 s3, v0;
	v3 =	vld [tilespmem:s2+$0x140]  }
0x1b5: {  	vm0 =	vlt.u32 v2, $0x31  }
0x1b6: {  	v2 =	vshll.u32 v2, $0x7;
	_ =	sdelay $0x2  }
0x1b7: {  	v1 =	vmul.f32 v1, v3  }
0x1b8: {  	s3 =	simm.s32 $0x900  }
0x1b9: {  	[tilespmem:v2+s3+$0x0] =	vst.idx.msk vm0, v1  }
0x1ba: {  	v1 =	vld [tilespmem:s2+$0x0];
	_ =	sdelay $0x1  }
0x1bb: {  	v4 =	vor.u32 $0x1, v2;
	_ =	sdelay $0x2  }
0x1bc: {  	v1 =	vmul.f32 v1, v3;
	_ =	sdelay $0x1  }
0x1bd: {  	[tilespmem:v4+s3+$0x0] =	vst.idx.msk vm0, v1  }
0x1be: {  	v1 =	vld [tilespmem:s2+$0x40];
	_ =	sdelay $0x1  }
0x1bf: {  	v61 =	vor.u32 $0x2, v2;
	_ =	sdelay $0x2  }
0x1c0: {  	v1 =	vmul.f32 v1, v3;
	_ =	sdelay $0x1  }
0x1c1: {  	[tilespmem:v61+s3+$0x0] =	vst.idx.msk vm0, v1  }
0x1c2: {  	v1 =	vld [tilespmem:s2+$0x80];
	_ =	sdelay $0x1  }
0x1c3: {  	v62 =	vor.u32 $0x3, v2;
	_ =	sdelay $0x2  }
0x1c4: {  	v1 =	vmul.f32 v1, v3;
	_ =	sdelay $0x1  }
0x1c5: {  	[tilespmem:v62+s3+$0x0] =	vst.idx.msk vm0, v1  }
0x1c6: {  	v1 =	vld [tilespmem:s2+$0xC0];
	_ =	sdelay $0x1  }
0x1c7: {  	v63 =	vor.u32 $0x4, v2;
	_ =	sdelay $0x2  }
0x1c8: {  	v1 =	vmul.f32 v1, v3;
	_ =	sdelay $0x1  }
0x1c9: {  	[tilespmem:v63+s3+$0x0] =	vst.idx.msk vm0, v1  }
0x1ca: {  	v4 =	vld [tilespmem:s2+$0x100];
	_ =	sdelay $0x1  }
0x1cb: {  	v1 =	vor.u32 $0x5, v2;
	_ =	sdelay $0x2  }
0x1cc: {  	s4 =	simm.s32 $0x10;
	v2 =	vmul.f32 v4, v3  }
.LBB2_9:
0x1cd: {  	p1 =	sne.s32 s4, $0x30  }
0x1ce: {  	s2 =	sadd.s32 $0x10, s2;
	s5 =	smov.u32 s4;
	s4 =	sadd.s32 $0x10, s4;
	[tilespmem:v1+s3+$0x0] =	vst.idx.msk vm0, v2  }
0x1cf: {  	v1 =	vld [tilespmem:s2+$0xFFFFFFC0]  }
0x1d0: {  	v2 =	vor.u32 s5, v0;
	v3 =	vld [tilespmem:s2+$0x140]  }
0x1d1: {  	vm0 =	vlt.u32 v2, $0x31  }
0x1d2: {  	v2 =	vshll.u32 v2, $0x7;
	_ =	sdelay $0x2  }
0x1d3: {  	v1 =	vmul.f32 v1, v3;
	_ =	sdelay $0x1  }
0x1d4: {  	[tilespmem:v2+s3+$0x0] =	vst.idx.msk vm0, v1  }
0x1d5: {  	v1 =	vld [tilespmem:s2+$0x0];
	_ =	sdelay $0x1  }
0x1d6: {  	v4 =	vor.u32 $0x1, v2;
	_ =	sdelay $0x2  }
0x1d7: {  	v1 =	vmul.f32 v1, v3;
	_ =	sdelay $0x1  }
0x1d8: {  	[tilespmem:v4+s3+$0x0] =	vst.idx.msk vm0, v1  }
0x1d9: {  	v1 =	vld [tilespmem:s2+$0x40];
	_ =	sdelay $0x1  }
0x1da: {  	v4 =	vor.u32 $0x2, v2;
	_ =	sdelay $0x2  }
0x1db: {  	v1 =	vmul.f32 v1, v3;
	_ =	sdelay $0x1  }
0x1dc: {  	[tilespmem:v4+s3+$0x0] =	vst.idx.msk vm0, v1  }
0x1dd: {  	v1 =	vld [tilespmem:s2+$0x80];
	_ =	sdelay $0x1  }
0x1de: {  	v4 =	vor.u32 $0x3, v2;
	_ =	sdelay $0x2  }
0x1df: {  	v1 =	vmul.f32 v1, v3;
	_ =	sdelay $0x1  }
0x1e0: {  	[tilespmem:v4+s3+$0x0] =	vst.idx.msk vm0, v1  }
0x1e1: {  	v1 =	vld [tilespmem:s2+$0xC0];
	_ =	sdelay $0x1  }
0x1e2: {  	v4 =	vor.u32 $0x4, v2;
	_ =	sdelay $0x2  }
0x1e3: {  	v1 =	vmul.f32 v1, v3;
	_ =	sdelay $0x1  }
0x1e4: {  	[tilespmem:v4+s3+$0x0] =	vst.idx.msk vm0, v1  }
0x1e5: {  	v4 =	vld [tilespmem:s2+$0x100]  }
.Ltmp5:
0x1e6: {  	(pc) =	sbr.rel @p1 .LBB2_9-.Ltmp5, $2  }
0x1e7: {  	v1 =	vor.u32 $0x5, v2;
	_ =	sdelay $0x2  }
0x1e8: {  	v2 =	vmul.f32 v4, v3  }
0x1e9: {  	_ =	sdelay $0x4  }
0x1ea: {  	s2 =	simm.s32 $0x0;
	s30 =	simm.s32 $0x900;
	s31 =	simm.s32 $0x1;
	[tilespmem:v1+s3+$0x0] =	vst.idx.msk vm0, v2  }
0x1eb: {  	[hbm4b:s1+s2] =	stream.linear.scatter [tilespmem:s30], [sflag:$0x1], $0x1880, $0x38;
	[tilespmem:$0x2500] =	vst v63  }
0x1ec: {  	_ =	swait.ge [sflag:s31], $0x1880  }
0x1ed: {  	[sflag:s31] =	ssyncset.done $0x0  }
0x1ee: {  	[sflag:s31] =	ssyncadd.s32 $0xFFFFE780  }
.LBB2_11:
0x1ef: {  	_ =	sfence.sel $0x180000  }
0x1f0: {  	[bflag:$0x0] =	sbarrier.arrive $0xFFFF  }
0x1f1: {  	_ =	strace $0x90000047  }
0x1f2: {  	s0 =	sadd.s32 @!p0 $0x100000, s0;
	[bflag:$0x2] =	sbarrier.arrive $0xFFFF  }
0x1f3: {  	[sflag:s0] =	ssyncadd.tile.s32 @!p0 $0x1;
	_ =	shalt  }
.Lfunc_end2:
_tile_overlayer_lowered:
.L_overlay_start_2:
0x1f4: {  	(tag) =	ssettag $0x2  }
0x1f5: {  	s0 =	rddreg [dreg:$0x0];
	s2 =	stileid.u32  }
0x1f6: {  	s1 =	rddreg [dreg:$0x1];
	p0 =	sne.s32 s2, $0x0  }
0x1f7: {  	s3 =	rddreg [dreg:$0x2];
	[bflag:$0x3] =	sbarrier.arrive $0xFFFF;
	s2 =	simm.s32 @!p0 $0x1C01  }
0x1f8: {  	[timem:s3], [sflag:s2] =	dma.local @!p0 [hbm:s0], s1  }
0x1f9: {  	s0 =	simm.s32 @!p0 $0x1  }
0x1fa: {  	_ =	swait.ge @!p0 [sflag:s0], s1  }
0x1fb: {  	s1 =	ssub.s32 @!p0 $0x0, s1;
	[sflag:s0] =	ssyncset.done @!p0 $0x0  }
0x1fc: {  	[sflag:s0] =	ssyncadd.s32 @!p0 s1  }
0x1fd: {  	[bflag:$0x3] =	sbarrier.arrive $0xFFFF  }
0x1fe: {  	_ =	shalt  }

</sc_bundles>
